<compile_context>
chip_gen: v7x
topology: tpu7x:2x2x1
jax: 0.10.2.dev20260603
libtpu: 0.0.44.dev20260713+nightly
codegen_flags: <defaults>
</compile_context>

<pallas_src>
import functools

import jax
import jax.numpy as jnp
from jax import lax
from jax.experimental import pallas as pl
from jax.experimental.pallas import tpu as pltpu
from jax.experimental.pallas import tpu_sc as plsc

_D = 32
_CHUNK = 1280
_NBUF = 3


@functools.lru_cache(maxsize=None)
def _build(n_rows):
    info = plsc.get_sparse_core_info()
    nw = info.num_cores * info.num_subcores
    per_w = n_rows // nw
    n_ch = per_w // _CHUNK
    assert per_w % _CHUNK == 0 and n_rows % nw == 0 and n_ch > _NBUF

    mesh = plsc.VectorSubcoreMesh(core_axis_name="c", subcore_axis_name="s")

    def body(table_hbm, idx_hbm, out_hbm,
             i0, i1, i2, r0, r1, r2,
             si0, si1, si2, sg0, sg1, sg2, so0, so1, so2):
        idx_v = [i0, i1, i2]
        rows_v = [r0, r1, r2]
        isem = [si0, si1, si2]
        gsem = [sg0, sg1, sg2]
        osem = [so0, so1, so2]

        wid = lax.axis_index("s") * info.num_cores + lax.axis_index("c")
        base = wid * per_w

        ih, gh, sh = {}, {}, {}

        def load_idx(c):
            b = c % _NBUF
            ih[c] = pltpu.async_copy(
                idx_hbm.at[pl.ds(base + c * _CHUNK, _CHUNK)],
                idx_v[b], isem[b])

        def start_gather(c):
            b = c % _NBUF
            gh[c] = pltpu.async_copy(table_hbm.at[idx_v[b]], rows_v[b],
                                     gsem[b])

        def start_store(c):
            b = c % _NBUF
            sh[c] = pltpu.async_copy(
                rows_v[b], out_hbm.at[pl.ds(base + c * _CHUNK, _CHUNK)],
                osem[b])

        load_idx(0)
        load_idx(1)
        load_idx(2)
        ih[0].wait()
        start_gather(0)
        ih[1].wait()
        start_gather(1)

        for c in range(n_ch):
            gh[c].wait()
            start_store(c)
            if c + 3 < n_ch:
                load_idx(c + 3)
            if c + 2 < n_ch:
                if c >= 1:
                    sh[c - 1].wait()
                ih[c + 2].wait()
                start_gather(c + 2)

        sh[n_ch - 3].wait()
        sh[n_ch - 2].wait()
        sh[n_ch - 1].wait()

    return pl.kernel(
        body,
        out_type=jax.ShapeDtypeStruct((n_rows, _D), jnp.float32),
        mesh=mesh,
        scratch_types=(
            [pltpu.VMEM((_CHUNK,), jnp.int32) for _ in range(_NBUF)]
            + [pltpu.VMEM((_CHUNK, _D), jnp.float32) for _ in range(_NBUF)]
            + [pltpu.SemaphoreType.DMA for _ in range(3 * _NBUF)]
        ),
        compiler_params=pltpu.CompilerParams(use_tc_tiling_on_sc=False),
    )


def kernel(x, table):
    b, h = x.shape
    flat = x.reshape(-1)
    out = _build(flat.shape[0])(table, flat)
    return out.reshape(b, h, _D)

# --- scband reference (transcript-rebuilt; emitter-appended) ---
"""Pipeline reference for scband-embedder-66829691125996 (READ-ONLY COPY).

The authoritative reference and input builder live on the scoring server;
editing this copy changes nothing except your own understanding.
"""

import jax, jax.numpy as jnp
import numpy as np

VOCAB = 1000000
EMB_DIM = 32
BATCH = 16384
HIST = 50

def setup_inputs(seed: int = 0) -> dict:
    key = jax.random.key(seed)
    k_idx, k_tab = jax.random.split(key)
    x = jax.random.randint(k_idx, (BATCH, HIST), 0, VOCAB, dtype=jnp.int64 if jax.config.jax_enable_x64 else jnp.int32)
    table = jax.random.normal(k_tab, (VOCAB, EMB_DIM), dtype=jnp.float32)
    return {"x": x, "table": table}

def reference(x, table):
    # nn.Embedding forward: gather rows of the embedding table
    return jnp.take(table, x, axis=0)

if __name__ == "__main__":
    import jax
    _d = setup_inputs()
    print(jax.jit(kernel)(*tuple(_d.values())))

</pallas_src>

<mosaic_0001>
#map = affine_map<(d0, d1) -> (0, 0)>
#map1 = affine_map<(d0, d1) -> (0)>
module attributes {stable_mosaic.version = 14 : i64} {
  func.func @body(%arg0: i32, %arg1: i32, %arg2: memref<1000000x32xf32, #tpu.memory_space<hbm>>, %arg3: memref<819200xi32, #tpu.memory_space<hbm>>, %arg4: memref<819200x32xf32, #tpu.memory_space<hbm>>, %arg5: memref<1280xi32, #tpu.memory_space<vmem>>, %arg6: memref<1280xi32, #tpu.memory_space<vmem>>, %arg7: memref<1280xi32, #tpu.memory_space<vmem>>, %arg8: memref<1280x32xf32, #tpu.memory_space<vmem>>, %arg9: memref<1280x32xf32, #tpu.memory_space<vmem>>, %arg10: memref<1280x32xf32, #tpu.memory_space<vmem>>, %arg11: memref<!tpu.dma_semaphore, #tpu.memory_space<semaphore_mem>>, %arg12: memref<!tpu.dma_semaphore, #tpu.memory_space<semaphore_mem>>, %arg13: memref<!tpu.dma_semaphore, #tpu.memory_space<semaphore_mem>>, %arg14: memref<!tpu.dma_semaphore, #tpu.memory_space<semaphore_mem>>, %arg15: memref<!tpu.dma_semaphore, #tpu.memory_space<semaphore_mem>>, %arg16: memref<!tpu.dma_semaphore, #tpu.memory_space<semaphore_mem>>, %arg17: memref<!tpu.dma_semaphore, #tpu.memory_space<semaphore_mem>>, %arg18: memref<!tpu.dma_semaphore, #tpu.memory_space<semaphore_mem>>, %arg19: memref<!tpu.dma_semaphore, #tpu.memory_space<semaphore_mem>>) attributes {dimension_semantics = [#tpu.dimension_semantics<core_parallel>, #tpu.dimension_semantics<subcore_parallel>], iteration_bounds = array<i64: 2, 16>, scalar_prefetch = 0 : i64, scratch_operands = 15 : i64, tpu.core_type = #tpu.core_type<sc_vector_subcore>, window_params = [{transform_indices = #map}, {transform_indices = #map1}, {transform_indices = #map}]} {
    %mul3A = arith.constant 2 : i32
    %mul3A_0 = arith.muli %arg1, %mul3A : i32
    %add3A = arith.addi %mul3A_0, %arg0 : i32
    %mul3A_1 = arith.constant 25600 : i32
    %mul3A_2 = arith.muli %add3A, %mul3A_1 : i32
    %add3A_3 = arith.constant 0 : i32
    %add3A_4 = arith.addi %mul3A_2, %add3A_3 : i32
    %dma_start3A = tpu.memref_slice %arg3[%add3A_4] : memref<819200xi32, #tpu.memory_space<hbm>> -> memref<1280xi32, #tpu.memory_space<hbm>>
    %dma_start3A_5 = tpu.memref_slice %arg3[%add3A_4] : memref<819200xi32, #tpu.memory_space<hbm>> -> memref<1280xi32, #tpu.memory_space<hbm>>
    tpu.enqueue_dma source(%dma_start3A_5 : memref<1280xi32, #tpu.memory_space<hbm>>) target(%arg5 : memref<1280xi32, #tpu.memory_space<vmem>>) target_semaphore(%arg11 : memref<!tpu.dma_semaphore, #tpu.memory_space<semaphore_mem>>)
    %add3A_6 = arith.constant 1280 : i32
    %add3A_7 = arith.addi %mul3A_2, %add3A_6 : i32
    %dma_start3A_8 = tpu.memref_slice %arg3[%add3A_7] : memref<819200xi32, #tpu.memory_space<hbm>> -> memref<1280xi32, #tpu.memory_space<hbm>>
    %dma_start3A_9 = tpu.memref_slice %arg3[%add3A_7] : memref<819200xi32, #tpu.memory_space<hbm>> -> memref<1280xi32, #tpu.memory_space<hbm>>
    tpu.enqueue_dma source(%dma_start3A_9 : memref<1280xi32, #tpu.memory_space<hbm>>) target(%arg6 : memref<1280xi32, #tpu.memory_space<vmem>>) target_semaphore(%arg12 : memref<!tpu.dma_semaphore, #tpu.memory_space<semaphore_mem>>)
    %add3A_10 = arith.constant 2560 : i32
    %add3A_11 = arith.addi %mul3A_2, %add3A_10 : i32
    %dma_start3A_12 = tpu.memref_slice %arg3[%add3A_11] : memref<819200xi32, #tpu.memory_space<hbm>> -> memref<1280xi32, #tpu.memory_space<hbm>>
    %dma_start3A_13 = tpu.memref_slice %arg3[%add3A_11] : memref<819200xi32, #tpu.memory_space<hbm>> -> memref<1280xi32, #tpu.memory_space<hbm>>
    tpu.enqueue_dma source(%dma_start3A_13 : memref<1280xi32, #tpu.memory_space<hbm>>) target(%arg7 : memref<1280xi32, #tpu.memory_space<vmem>>) target_semaphore(%arg13 : memref<!tpu.dma_semaphore, #tpu.memory_space<semaphore_mem>>)
    %dma_wait3A = tpu.memref_slice %arg3[%add3A_4] : memref<819200xi32, #tpu.memory_space<hbm>> -> memref<1280xi32, #tpu.memory_space<hbm>>
    %dma_wait3A_14 = tpu.memref_slice %arg3[%add3A_4] : memref<819200xi32, #tpu.memory_space<hbm>> -> memref<1280xi32, #tpu.memory_space<hbm>>
    tpu.wait_dma2 semaphore(%arg11 : memref<!tpu.dma_semaphore, #tpu.memory_space<semaphore_mem>>) src(%dma_wait3A_14 : memref<1280xi32, #tpu.memory_space<hbm>>) dst(%arg5 : memref<1280xi32, #tpu.memory_space<vmem>>)
    %dma_start3A_15 = arith.constant 0 : i32
    %dma_start3A_16 = arith.constant 0 : i32
    %dma_start3A_17 = tpu.memref_slice %arg2[%dma_start3A_15, %dma_start3A_16] : memref<1000000x32xf32, #tpu.memory_space<hbm>> -> memref<1000000x32xf32, #tpu.memory_space<hbm>>
    tpu.enqueue_indirect_dma source(%dma_start3A_17 : memref<1000000x32xf32, #tpu.memory_space<hbm>>) target(%arg8 : memref<1280x32xf32, #tpu.memory_space<vmem>>) offsets(%arg5 : memref<1280xi32, #tpu.memory_space<vmem>>) semaphore(%arg14 : memref<!tpu.dma_semaphore, #tpu.memory_space<semaphore_mem>>)
    %dma_wait3A_18 = tpu.memref_slice %arg3[%add3A_7] : memref<819200xi32, #tpu.memory_space<hbm>> -> memref<1280xi32, #tpu.memory_space<hbm>>
    %dma_wait3A_19 = tpu.memref_slice %arg3[%add3A_7] : memref<819200xi32, #tpu.memory_space<hbm>> -> memref<1280xi32, #tpu.memory_space<hbm>>
    tpu.wait_dma2 semaphore(%arg12 : memref<!tpu.dma_semaphore, #tpu.memory_space<semaphore_mem>>) src(%dma_wait3A_19 : memref<1280xi32, #tpu.memory_space<hbm>>) dst(%arg6 : memref<1280xi32, #tpu.memory_space<vmem>>)
    %dma_start3A_20 = arith.constant 0 : i32
    %dma_start3A_21 = arith.constant 0 : i32
    %dma_start3A_22 = tpu.memref_slice %arg2[%dma_start3A_20, %dma_start3A_21] : memref<1000000x32xf32, #tpu.memory_space<hbm>> -> memref<1000000x32xf32, #tpu.memory_space<hbm>>
    tpu.enqueue_indirect_dma source(%dma_start3A_22 : memref<1000000x32xf32, #tpu.memory_space<hbm>>) target(%arg9 : memref<1280x32xf32, #tpu.memory_space<vmem>>) offsets(%arg6 : memref<1280xi32, #tpu.memory_space<vmem>>) semaphore(%arg15 : memref<!tpu.dma_semaphore, #tpu.memory_space<semaphore_mem>>)
    %dma_wait3A_23 = arith.constant 0 : i32
    %dma_wait3A_24 = arith.constant 0 : i32
    %dma_wait3A_25 = tpu.memref_slice %arg2[%dma_wait3A_23, %dma_wait3A_24] : memref<1000000x32xf32, #tpu.memory_space<hbm>> -> memref<1000000x32xf32, #tpu.memory_space<hbm>>
    tpu.wait_indirect_dma semaphore(%arg14 : memref<!tpu.dma_semaphore, #tpu.memory_space<semaphore_mem>>) src(%dma_wait3A_25 : memref<1000000x32xf32, #tpu.memory_space<hbm>>) dst(%arg8 : memref<1280x32xf32, #tpu.memory_space<vmem>>)
    %add3A_26 = arith.constant 0 : i32
    %add3A_27 = arith.addi %mul3A_2, %add3A_26 : i32
    %dma_start3A_28 = arith.constant 0 : i32
    %dma_start3A_29 = tpu.memref_slice %arg4[%add3A_27, %dma_start3A_28] : memref<819200x32xf32, #tpu.memory_space<hbm>> -> memref<1280x32xf32, #tpu.memory_space<hbm>>
    %dma_start3A_30 = arith.constant 0 : i32
    %dma_start3A_31 = tpu.memref_slice %arg4[%add3A_27, %dma_start3A_30] : memref<819200x32xf32, #tpu.memory_space<hbm>> -> memref<1280x32xf32, #tpu.memory_space<hbm>>
    tpu.enqueue_dma source(%arg8 : memref<1280x32xf32, #tpu.memory_space<vmem>>) target(%dma_start3A_31 : memref<1280x32xf32, #tpu.memory_space<hbm>>) target_semaphore(%arg17 : memref<!tpu.dma_semaphore, #tpu.memory_space<semaphore_mem>>)
    %add3A_32 = arith.constant 3840 : i32
    %add3A_33 = arith.addi %mul3A_2, %add3A_32 : i32
    %dma_start3A_34 = tpu.memref_slice %arg3[%add3A_33] : memref<819200xi32, #tpu.memory_space<hbm>> -> memref<1280xi32, #tpu.memory_space<hbm>>
    %dma_start3A_35 = tpu.memref_slice %arg3[%add3A_33] : memref<819200xi32, #tpu.memory_space<hbm>> -> memref<1280xi32, #tpu.memory_space<hbm>>
    tpu.enqueue_dma source(%dma_start3A_35 : memref<1280xi32, #tpu.memory_space<hbm>>) target(%arg5 : memref<1280xi32, #tpu.memory_space<vmem>>) target_semaphore(%arg11 : memref<!tpu.dma_semaphore, #tpu.memory_space<semaphore_mem>>)
    %dma_wait3A_36 = tpu.memref_slice %arg3[%add3A_11] : memref<819200xi32, #tpu.memory_space<hbm>> -> memref<1280xi32, #tpu.memory_space<hbm>>
    %dma_wait3A_37 = tpu.memref_slice %arg3[%add3A_11] : memref<819200xi32, #tpu.memory_space<hbm>> -> memref<1280xi32, #tpu.memory_space<hbm>>
    tpu.wait_dma2 semaphore(%arg13 : memref<!tpu.dma_semaphore, #tpu.memory_space<semaphore_mem>>) src(%dma_wait3A_37 : memref<1280xi32, #tpu.memory_space<hbm>>) dst(%arg7 : memref<1280xi32, #tpu.memory_space<vmem>>)
    %dma_start3A_38 = arith.constant 0 : i32
    %dma_start3A_39 = arith.constant 0 : i32
    %dma_start3A_40 = tpu.memref_slice %arg2[%dma_start3A_38, %dma_start3A_39] : memref<1000000x32xf32, #tpu.memory_space<hbm>> -> memref<1000000x32xf32, #tpu.memory_space<hbm>>
    tpu.enqueue_indirect_dma source(%dma_start3A_40 : memref<1000000x32xf32, #tpu.memory_space<hbm>>) target(%arg10 : memref<1280x32xf32, #tpu.memory_space<vmem>>) offsets(%arg7 : memref<1280xi32, #tpu.memory_space<vmem>>) semaphore(%arg16 : memref<!tpu.dma_semaphore, #tpu.memory_space<semaphore_mem>>)
    %dma_wait3A_41 = arith.constant 0 : i32
    %dma_wait3A_42 = arith.constant 0 : i32
    %dma_wait3A_43 = tpu.memref_slice %arg2[%dma_wait3A_41, %dma_wait3A_42] : memref<1000000x32xf32, #tpu.memory_space<hbm>> -> memref<1000000x32xf32, #tpu.memory_space<hbm>>
    tpu.wait_indirect_dma semaphore(%arg15 : memref<!tpu.dma_semaphore, #tpu.memory_space<semaphore_mem>>) src(%dma_wait3A_43 : memref<1000000x32xf32, #tpu.memory_space<hbm>>) dst(%arg9 : memref<1280x32xf32, #tpu.memory_space<vmem>>)
    %add3A_44 = arith.constant 1280 : i32
    %add3A_45 = arith.addi %mul3A_2, %add3A_44 : i32
    %dma_start3A_46 = arith.constant 0 : i32
    %dma_start3A_47 = tpu.memref_slice %arg4[%add3A_45, %dma_start3A_46] : memref<819200x32xf32, #tpu.memory_space<hbm>> -> memref<1280x32xf32, #tpu.memory_space<hbm>>
    %dma_start3A_48 = arith.constant 0 : i32
    %dma_start3A_49 = tpu.memref_slice %arg4[%add3A_45, %dma_start3A_48] : memref<819200x32xf32, #tpu.memory_space<hbm>> -> memref<1280x32xf32, #tpu.memory_space<hbm>>
    tpu.enqueue_dma source(%arg9 : memref<1280x32xf32, #tpu.memory_space<vmem>>) target(%dma_start3A_49 : memref<1280x32xf32, #tpu.memory_space<hbm>>) target_semaphore(%arg18 : memref<!tpu.dma_semaphore, #tpu.memory_space<semaphore_mem>>)
    %add3A_50 = arith.constant 5120 : i32
    %add3A_51 = arith.addi %mul3A_2, %add3A_50 : i32
    %dma_start3A_52 = tpu.memref_slice %arg3[%add3A_51] : memref<819200xi32, #tpu.memory_space<hbm>> -> memref<1280xi32, #tpu.memory_space<hbm>>
    %dma_start3A_53 = tpu.memref_slice %arg3[%add3A_51] : memref<819200xi32, #tpu.memory_space<hbm>> -> memref<1280xi32, #tpu.memory_space<hbm>>
    tpu.enqueue_dma source(%dma_start3A_53 : memref<1280xi32, #tpu.memory_space<hbm>>) target(%arg6 : memref<1280xi32, #tpu.memory_space<vmem>>) target_semaphore(%arg12 : memref<!tpu.dma_semaphore, #tpu.memory_space<semaphore_mem>>)
    %dma_wait3A_54 = arith.constant 0 : i32
    %dma_wait3A_55 = tpu.memref_slice %arg4[%add3A_27, %dma_wait3A_54] : memref<819200x32xf32, #tpu.memory_space<hbm>> -> memref<1280x32xf32, #tpu.memory_space<hbm>>
    %dma_wait3A_56 = arith.constant 0 : i32
    %dma_wait3A_57 = tpu.memref_slice %arg4[%add3A_27, %dma_wait3A_56] : memref<819200x32xf32, #tpu.memory_space<hbm>> -> memref<1280x32xf32, #tpu.memory_space<hbm>>
    tpu.wait_dma2 semaphore(%arg17 : memref<!tpu.dma_semaphore, #tpu.memory_space<semaphore_mem>>) src(%arg8 : memref<1280x32xf32, #tpu.memory_space<vmem>>) dst(%dma_wait3A_57 : memref<1280x32xf32, #tpu.memory_space<hbm>>)
    %dma_wait3A_58 = tpu.memref_slice %arg3[%add3A_33] : memref<819200xi32, #tpu.memory_space<hbm>> -> memref<1280xi32, #tpu.memory_space<hbm>>
    %dma_wait3A_59 = tpu.memref_slice %arg3[%add3A_33] : memref<819200xi32, #tpu.memory_space<hbm>> -> memref<1280xi32, #tpu.memory_space<hbm>>
    tpu.wait_dma2 semaphore(%arg11 : memref<!tpu.dma_semaphore, #tpu.memory_space<semaphore_mem>>) src(%dma_wait3A_59 : memref<1280xi32, #tpu.memory_space<hbm>>) dst(%arg5 : memref<1280xi32, #tpu.memory_space<vmem>>)
    %dma_start3A_60 = arith.constant 0 : i32
    %dma_start3A_61 = arith.constant 0 : i32
    %dma_start3A_62 = tpu.memref_slice %arg2[%dma_start3A_60, %dma_start3A_61] : memref<1000000x32xf32, #tpu.memory_space<hbm>> -> memref<1000000x32xf32, #tpu.memory_space<hbm>>
    tpu.enqueue_indirect_dma source(%dma_start3A_62 : memref<1000000x32xf32, #tpu.memory_space<hbm>>) target(%arg8 : memref<1280x32xf32, #tpu.memory_space<vmem>>) offsets(%arg5 : memref<1280xi32, #tpu.memory_space<vmem>>) semaphore(%arg14 : memref<!tpu.dma_semaphore, #tpu.memory_space<semaphore_mem>>)
    %dma_wait3A_63 = arith.constant 0 : i32
    %dma_wait3A_64 = arith.constant 0 : i32
    %dma_wait3A_65 = tpu.memref_slice %arg2[%dma_wait3A_63, %dma_wait3A_64] : memref<1000000x32xf32, #tpu.memory_space<hbm>> -> memref<1000000x32xf32, #tpu.memory_space<hbm>>
    tpu.wait_indirect_dma semaphore(%arg16 : memref<!tpu.dma_semaphore, #tpu.memory_space<semaphore_mem>>) src(%dma_wait3A_65 : memref<1000000x32xf32, #tpu.memory_space<hbm>>) dst(%arg10 : memref<1280x32xf32, #tpu.memory_space<vmem>>)
    %add3A_66 = arith.constant 2560 : i32
    %add3A_67 = arith.addi %mul3A_2, %add3A_66 : i32
    %dma_start3A_68 = arith.constant 0 : i32
    %dma_start3A_69 = tpu.memref_slice %arg4[%add3A_67, %dma_start3A_68] : memref<819200x32xf32, #tpu.memory_space<hbm>> -> memref<1280x32xf32, #tpu.memory_space<hbm>>
    %dma_start3A_70 = arith.constant 0 : i32
    %dma_start3A_71 = tpu.memref_slice %arg4[%add3A_67, %dma_start3A_70] : memref<819200x32xf32, #tpu.memory_space<hbm>> -> memref<1280x32xf32, #tpu.memory_space<hbm>>
    tpu.enqueue_dma source(%arg10 : memref<1280x32xf32, #tpu.memory_space<vmem>>) target(%dma_start3A_71 : memref<1280x32xf32, #tpu.memory_space<hbm>>) target_semaphore(%arg19 : memref<!tpu.dma_semaphore, #tpu.memory_space<semaphore_mem>>)
    %add3A_72 = arith.constant 6400 : i32
    %add3A_73 = arith.addi %mul3A_2, %add3A_72 : i32
    %dma_start3A_74 = tpu.memref_slice %arg3[%add3A_73] : memref<819200xi32, #tpu.memory_space<hbm>> -> memref<1280xi32, #tpu.memory_space<hbm>>
    %dma_start3A_75 = tpu.memref_slice %arg3[%add3A_73] : memref<819200xi32, #tpu.memory_space<hbm>> -> memref<1280xi32, #tpu.memory_space<hbm>>
    tpu.enqueue_dma source(%dma_start3A_75 : memref<1280xi32, #tpu.memory_space<hbm>>) target(%arg7 : memref<1280xi32, #tpu.memory_space<vmem>>) target_semaphore(%arg13 : memref<!tpu.dma_semaphore, #tpu.memory_space<semaphore_mem>>)
    %dma_wait3A_76 = arith.constant 0 : i32
    %dma_wait3A_77 = tpu.memref_slice %arg4[%add3A_45, %dma_wait3A_76] : memref<819200x32xf32, #tpu.memory_space<hbm>> -> memref<1280x32xf32, #tpu.memory_space<hbm>>
    %dma_wait3A_78 = arith.constant 0 : i32
    %dma_wait3A_79 = tpu.memref_slice %arg4[%add3A_45, %dma_wait3A_78] : memref<819200x32xf32, #tpu.memory_space<hbm>> -> memref<1280x32xf32, #tpu.memory_space<hbm>>
    tpu.wait_dma2 semaphore(%arg18 : memref<!tpu.dma_semaphore, #tpu.memory_space<semaphore_mem>>) src(%arg9 : memref<1280x32xf32, #tpu.memory_space<vmem>>) dst(%dma_wait3A_79 : memref<1280x32xf32, #tpu.memory_space<hbm>>)
    %dma_wait3A_80 = tpu.memref_slice %arg3[%add3A_51] : memref<819200xi32, #tpu.memory_space<hbm>> -> memref<1280xi32, #tpu.memory_space<hbm>>
    %dma_wait3A_81 = tpu.memref_slice %arg3[%add3A_51] : memref<819200xi32, #tpu.memory_space<hbm>> -> memref<1280xi32, #tpu.memory_space<hbm>>
    tpu.wait_dma2 semaphore(%arg12 : memref<!tpu.dma_semaphore, #tpu.memory_space<semaphore_mem>>) src(%dma_wait3A_81 : memref<1280xi32, #tpu.memory_space<hbm>>) dst(%arg6 : memref<1280xi32, #tpu.memory_space<vmem>>)
    %dma_start3A_82 = arith.constant 0 : i32
    %dma_start3A_83 = arith.constant 0 : i32
    %dma_start3A_84 = tpu.memref_slice %arg2[%dma_start3A_82, %dma_start3A_83] : memref<1000000x32xf32, #tpu.memory_space<hbm>> -> memref<1000000x32xf32, #tpu.memory_space<hbm>>
    tpu.enqueue_indirect_dma source(%dma_start3A_84 : memref<1000000x32xf32, #tpu.memory_space<hbm>>) target(%arg9 : memref<1280x32xf32, #tpu.memory_space<vmem>>) offsets(%arg6 : memref<1280xi32, #tpu.memory_space<vmem>>) semaphore(%arg15 : memref<!tpu.dma_semaphore, #tpu.memory_space<semaphore_mem>>)
    %dma_wait3A_85 = arith.constant 0 : i32
    %dma_wait3A_86 = arith.constant 0 : i32
    %dma_wait3A_87 = tpu.memref_slice %arg2[%dma_wait3A_85, %dma_wait3A_86] : memref<1000000x32xf32, #tpu.memory_space<hbm>> -> memref<1000000x32xf32, #tpu.memory_space<hbm>>
    tpu.wait_indirect_dma semaphore(%arg14 : memref<!tpu.dma_semaphore, #tpu.memory_space<semaphore_mem>>) src(%dma_wait3A_87 : memref<1000000x32xf32, #tpu.memory_space<hbm>>) dst(%arg8 : memref<1280x32xf32, #tpu.memory_space<vmem>>)
    %add3A_88 = arith.constant 3840 : i32
    %add3A_89 = arith.addi %mul3A_2, %add3A_88 : i32
    %dma_start3A_90 = arith.constant 0 : i32
    %dma_start3A_91 = tpu.memref_slice %arg4[%add3A_89, %dma_start3A_90] : memref<819200x32xf32, #tpu.memory_space<hbm>> -> memref<1280x32xf32, #tpu.memory_space<hbm>>
    %dma_start3A_92 = arith.constant 0 : i32
    %dma_start3A_93 = tpu.memref_slice %arg4[%add3A_89, %dma_start3A_92] : memref<819200x32xf32, #tpu.memory_space<hbm>> -> memref<1280x32xf32, #tpu.memory_space<hbm>>
    tpu.enqueue_dma source(%arg8 : memref<1280x32xf32, #tpu.memory_space<vmem>>) target(%dma_start3A_93 : memref<1280x32xf32, #tpu.memory_space<hbm>>) target_semaphore(%arg17 : memref<!tpu.dma_semaphore, #tpu.memory_space<semaphore_mem>>)
    %add3A_94 = arith.constant 7680 : i32
    %add3A_95 = arith.addi %mul3A_2, %add3A_94 : i32
    %dma_start3A_96 = tpu.memref_slice %arg3[%add3A_95] : memref<819200xi32, #tpu.memory_space<hbm>> -> memref<1280xi32, #tpu.memory_space<hbm>>
    %dma_start3A_97 = tpu.memref_slice %arg3[%add3A_95] : memref<819200xi32, #tpu.memory_space<hbm>> -> memref<1280xi32, #tpu.memory_space<hbm>>
    tpu.enqueue_dma source(%dma_start3A_97 : memref<1280xi32, #tpu.memory_space<hbm>>) target(%arg5 : memref<1280xi32, #tpu.memory_space<vmem>>) target_semaphore(%arg11 : memref<!tpu.dma_semaphore, #tpu.memory_space<semaphore_mem>>)
    %dma_wait3A_98 = arith.constant 0 : i32
    %dma_wait3A_99 = tpu.memref_slice %arg4[%add3A_67, %dma_wait3A_98] : memref<819200x32xf32, #tpu.memory_space<hbm>> -> memref<1280x32xf32, #tpu.memory_space<hbm>>
    %dma_wait3A_100 = arith.constant 0 : i32
    %dma_wait3A_101 = tpu.memref_slice %arg4[%add3A_67, %dma_wait3A_100] : memref<819200x32xf32, #tpu.memory_space<hbm>> -> memref<1280x32xf32, #tpu.memory_space<hbm>>
    tpu.wait_dma2 semaphore(%arg19 : memref<!tpu.dma_semaphore, #tpu.memory_space<semaphore_mem>>) src(%arg10 : memref<1280x32xf32, #tpu.memory_space<vmem>>) dst(%dma_wait3A_101 : memref<1280x32xf32, #tpu.memory_space<hbm>>)
    %dma_wait3A_102 = tpu.memref_slice %arg3[%add3A_73] : memref<819200xi32, #tpu.memory_space<hbm>> -> memref<1280xi32, #tpu.memory_space<hbm>>
    %dma_wait3A_103 = tpu.memref_slice %arg3[%add3A_73] : memref<819200xi32, #tpu.memory_space<hbm>> -> memref<1280xi32, #tpu.memory_space<hbm>>
    tpu.wait_dma2 semaphore(%arg13 : memref<!tpu.dma_semaphore, #tpu.memory_space<semaphore_mem>>) src(%dma_wait3A_103 : memref<1280xi32, #tpu.memory_space<hbm>>) dst(%arg7 : memref<1280xi32, #tpu.memory_space<vmem>>)
    %dma_start3A_104 = arith.constant 0 : i32
    %dma_start3A_105 = arith.constant 0 : i32
    %dma_start3A_106 = tpu.memref_slice %arg2[%dma_start3A_104, %dma_start3A_105] : memref<1000000x32xf32, #tpu.memory_space<hbm>> -> memref<1000000x32xf32, #tpu.memory_space<hbm>>
    tpu.enqueue_indirect_dma source(%dma_start3A_106 : memref<1000000x32xf32, #tpu.memory_space<hbm>>) target(%arg10 : memref<1280x32xf32, #tpu.memory_space<vmem>>) offsets(%arg7 : memref<1280xi32, #tpu.memory_space<vmem>>) semaphore(%arg16 : memref<!tpu.dma_semaphore, #tpu.memory_space<semaphore_mem>>)
    %dma_wait3A_107 = arith.constant 0 : i32
    %dma_wait3A_108 = arith.constant 0 : i32
    %dma_wait3A_109 = tpu.memref_slice %arg2[%dma_wait3A_107, %dma_wait3A_108] : memref<1000000x32xf32, #tpu.memory_space<hbm>> -> memref<1000000x32xf32, #tpu.memory_space<hbm>>
    tpu.wait_indirect_dma semaphore(%arg15 : memref<!tpu.dma_semaphore, #tpu.memory_space<semaphore_mem>>) src(%dma_wait3A_109 : memref<1000000x32xf32, #tpu.memory_space<hbm>>) dst(%arg9 : memref<1280x32xf32, #tpu.memory_space<vmem>>)
    %add3A_110 = arith.constant 5120 : i32
    %add3A_111 = arith.addi %mul3A_2, %add3A_110 : i32
    %dma_start3A_112 = arith.constant 0 : i32
    %dma_start3A_113 = tpu.memref_slice %arg4[%add3A_111, %dma_start3A_112] : memref<819200x32xf32, #tpu.memory_space<hbm>> -> memref<1280x32xf32, #tpu.memory_space<hbm>>
    %dma_start3A_114 = arith.constant 0 : i32
    %dma_start3A_115 = tpu.memref_slice %arg4[%add3A_111, %dma_start3A_114] : memref<819200x32xf32, #tpu.memory_space<hbm>> -> memref<1280x32xf32, #tpu.memory_space<hbm>>
    tpu.enqueue_dma source(%arg9 : memref<1280x32xf32, #tpu.memory_space<vmem>>) target(%dma_start3A_115 : memref<1280x32xf32, #tpu.memory_space<hbm>>) target_semaphore(%arg18 : memref<!tpu.dma_semaphore, #tpu.memory_space<semaphore_mem>>)
    %add3A_116 = arith.constant 8960 : i32
    %add3A_117 = arith.addi %mul3A_2, %add3A_116 : i32
    %dma_start3A_118 = tpu.memref_slice %arg3[%add3A_117] : memref<819200xi32, #tpu.memory_space<hbm>> -> memref<1280xi32, #tpu.memory_space<hbm>>
    %dma_start3A_119 = tpu.memref_slice %arg3[%add3A_117] : memref<819200xi32, #tpu.memory_space<hbm>> -> memref<1280xi32, #tpu.memory_space<hbm>>
    tpu.enqueue_dma source(%dma_start3A_119 : memref<1280xi32, #tpu.memory_space<hbm>>) target(%arg6 : memref<1280xi32, #tpu.memory_space<vmem>>) target_semaphore(%arg12 : memref<!tpu.dma_semaphore, #tpu.memory_space<semaphore_mem>>)
    %dma_wait3A_120 = arith.constant 0 : i32
    %dma_wait3A_121 = tpu.memref_slice %arg4[%add3A_89, %dma_wait3A_120] : memref<819200x32xf32, #tpu.memory_space<hbm>> -> memref<1280x32xf32, #tpu.memory_space<hbm>>
    %dma_wait3A_122 = arith.constant 0 : i32
    %dma_wait3A_123 = tpu.memref_slice %arg4[%add3A_89, %dma_wait3A_122] : memref<819200x32xf32, #tpu.memory_space<hbm>> -> memref<1280x32xf32, #tpu.memory_space<hbm>>
    tpu.wait_dma2 semaphore(%arg17 : memref<!tpu.dma_semaphore, #tpu.memory_space<semaphore_mem>>) src(%arg8 : memref<1280x32xf32, #tpu.memory_space<vmem>>) dst(%dma_wait3A_123 : memref<1280x32xf32, #tpu.memory_space<hbm>>)
    %dma_wait3A_124 = tpu.memref_slice %arg3[%add3A_95] : memref<819200xi32, #tpu.memory_space<hbm>> -> memref<1280xi32, #tpu.memory_space<hbm>>
    %dma_wait3A_125 = tpu.memref_slice %arg3[%add3A_95] : memref<819200xi32, #tpu.memory_space<hbm>> -> memref<1280xi32, #tpu.memory_space<hbm>>
    tpu.wait_dma2 semaphore(%arg11 : memref<!tpu.dma_semaphore, #tpu.memory_space<semaphore_mem>>) src(%dma_wait3A_125 : memref<1280xi32, #tpu.memory_space<hbm>>) dst(%arg5 : memref<1280xi32, #tpu.memory_space<vmem>>)
    %dma_start3A_126 = arith.constant 0 : i32
    %dma_start3A_127 = arith.constant 0 : i32
    %dma_start3A_128 = tpu.memref_slice %arg2[%dma_start3A_126, %dma_start3A_127] : memref<1000000x32xf32, #tpu.memory_space<hbm>> -> memref<1000000x32xf32, #tpu.memory_space<hbm>>
    tpu.enqueue_indirect_dma source(%dma_start3A_128 : memref<1000000x32xf32, #tpu.memory_space<hbm>>) target(%arg8 : memref<1280x32xf32, #tpu.memory_space<vmem>>) offsets(%arg5 : memref<1280xi32, #tpu.memory_space<vmem>>) semaphore(%arg14 : memref<!tpu.dma_semaphore, #tpu.memory_space<semaphore_mem>>)
    %dma_wait3A_129 = arith.constant 0 : i32
    %dma_wait3A_130 = arith.constant 0 : i32
    %dma_wait3A_131 = tpu.memref_slice %arg2[%dma_wait3A_129, %dma_wait3A_130] : memref<1000000x32xf32, #tpu.memory_space<hbm>> -> memref<1000000x32xf32, #tpu.memory_space<hbm>>
    tpu.wait_indirect_dma semaphore(%arg16 : memref<!tpu.dma_semaphore, #tpu.memory_space<semaphore_mem>>) src(%dma_wait3A_131 : memref<1000000x32xf32, #tpu.memory_space<hbm>>) dst(%arg10 : memref<1280x32xf32, #tpu.memory_space<vmem>>)
    %add3A_132 = arith.constant 6400 : i32
    %add3A_133 = arith.addi %mul3A_2, %add3A_132 : i32
    %dma_start3A_134 = arith.constant 0 : i32
    %dma_start3A_135 = tpu.memref_slice %arg4[%add3A_133, %dma_start3A_134] : memref<819200x32xf32, #tpu.memory_space<hbm>> -> memref<1280x32xf32, #tpu.memory_space<hbm>>
    %dma_start3A_136 = arith.constant 0 : i32
    %dma_start3A_137 = tpu.memref_slice %arg4[%add3A_133, %dma_start3A_136] : memref<819200x32xf32, #tpu.memory_space<hbm>> -> memref<1280x32xf32, #tpu.memory_space<hbm>>
    tpu.enqueue_dma source(%arg10 : memref<1280x32xf32, #tpu.memory_space<vmem>>) target(%dma_start3A_137 : memref<1280x32xf32, #tpu.memory_space<hbm>>) target_semaphore(%arg19 : memref<!tpu.dma_semaphore, #tpu.memory_space<semaphore_mem>>)
    %add3A_138 = arith.constant 10240 : i32
    %add3A_139 = arith.addi %mul3A_2, %add3A_138 : i32
    %dma_start3A_140 = tpu.memref_slice %arg3[%add3A_139] : memref<819200xi32, #tpu.memory_space<hbm>> -> memref<1280xi32, #tpu.memory_space<hbm>>
    %dma_start3A_141 = tpu.memref_slice %arg3[%add3A_139] : memref<819200xi32, #tpu.memory_space<hbm>> -> memref<1280xi32, #tpu.memory_space<hbm>>
    tpu.enqueue_dma source(%dma_start3A_141 : memref<1280xi32, #tpu.memory_space<hbm>>) target(%arg7 : memref<1280xi32, #tpu.memory_space<vmem>>) target_semaphore(%arg13 : memref<!tpu.dma_semaphore, #tpu.memory_space<semaphore_mem>>)
    %dma_wait3A_142 = arith.constant 0 : i32
    %dma_wait3A_143 = tpu.memref_slice %arg4[%add3A_111, %dma_wait3A_142] : memref<819200x32xf32, #tpu.memory_space<hbm>> -> memref<1280x32xf32, #tpu.memory_space<hbm>>
    %dma_wait3A_144 = arith.constant 0 : i32
    %dma_wait3A_145 = tpu.memref_slice %arg4[%add3A_111, %dma_wait3A_144] : memref<819200x32xf32, #tpu.memory_space<hbm>> -> memref<1280x32xf32, #tpu.memory_space<hbm>>
    tpu.wait_dma2 semaphore(%arg18 : memref<!tpu.dma_semaphore, #tpu.memory_space<semaphore_mem>>) src(%arg9 : memref<1280x32xf32, #tpu.memory_space<vmem>>) dst(%dma_wait3A_145 : memref<1280x32xf32, #tpu.memory_space<hbm>>)
    %dma_wait3A_146 = tpu.memref_slice %arg3[%add3A_117] : memref<819200xi32, #tpu.memory_space<hbm>> -> memref<1280xi32, #tpu.memory_space<hbm>>
    %dma_wait3A_147 = tpu.memref_slice %arg3[%add3A_117] : memref<819200xi32, #tpu.memory_space<hbm>> -> memref<1280xi32, #tpu.memory_space<hbm>>
    tpu.wait_dma2 semaphore(%arg12 : memref<!tpu.dma_semaphore, #tpu.memory_space<semaphore_mem>>) src(%dma_wait3A_147 : memref<1280xi32, #tpu.memory_space<hbm>>) dst(%arg6 : memref<1280xi32, #tpu.memory_space<vmem>>)
    %dma_start3A_148 = arith.constant 0 : i32
    %dma_start3A_149 = arith.constant 0 : i32
    %dma_start3A_150 = tpu.memref_slice %arg2[%dma_start3A_148, %dma_start3A_149] : memref<1000000x32xf32, #tpu.memory_space<hbm>> -> memref<1000000x32xf32, #tpu.memory_space<hbm>>
    tpu.enqueue_indirect_dma source(%dma_start3A_150 : memref<1000000x32xf32, #tpu.memory_space<hbm>>) target(%arg9 : memref<1280x32xf32, #tpu.memory_space<vmem>>) offsets(%arg6 : memref<1280xi32, #tpu.memory_space<vmem>>) semaphore(%arg15 : memref<!tpu.dma_semaphore, #tpu.memory_space<semaphore_mem>>)
    %dma_wait3A_151 = arith.constant 0 : i32
    %dma_wait3A_152 = arith.constant 0 : i32
    %dma_wait3A_153 = tpu.memref_slice %arg2[%dma_wait3A_151, %dma_wait3A_152] : memref<1000000x32xf32, #tpu.memory_space<hbm>> -> memref<1000000x32xf32, #tpu.memory_space<hbm>>
    tpu.wait_indirect_dma semaphore(%arg14 : memref<!tpu.dma_semaphore, #tpu.memory_space<semaphore_mem>>) src(%dma_wait3A_153 : memref<1000000x32xf32, #tpu.memory_space<hbm>>) dst(%arg8 : memref<1280x32xf32, #tpu.memory_space<vmem>>)
    %add3A_154 = arith.constant 7680 : i32
    %add3A_155 = arith.addi %mul3A_2, %add3A_154 : i32
    %dma_start3A_156 = arith.constant 0 : i32
    %dma_start3A_157 = tpu.memref_slice %arg4[%add3A_155, %dma_start3A_156] : memref<819200x32xf32, #tpu.memory_space<hbm>> -> memref<1280x32xf32, #tpu.memory_space<hbm>>
    %dma_start3A_158 = arith.constant 0 : i32
    %dma_start3A_159 = tpu.memref_slice %arg4[%add3A_155, %dma_start3A_158] : memref<819200x32xf32, #tpu.memory_space<hbm>> -> memref<1280x32xf32, #tpu.memory_space<hbm>>
    tpu.enqueue_dma source(%arg8 : memref<1280x32xf32, #tpu.memory_space<vmem>>) target(%dma_start3A_159 : memref<1280x32xf32, #tpu.memory_space<hbm>>) target_semaphore(%arg17 : memref<!tpu.dma_semaphore, #tpu.memory_space<semaphore_mem>>)
    %add3A_160 = arith.constant 11520 : i32
    %add3A_161 = arith.addi %mul3A_2, %add3A_160 : i32
    %dma_start3A_162 = tpu.memref_slice %arg3[%add3A_161] : memref<819200xi32, #tpu.memory_space<hbm>> -> memref<1280xi32, #tpu.memory_space<hbm>>
    %dma_start3A_163 = tpu.memref_slice %arg3[%add3A_161] : memref<819200xi32, #tpu.memory_space<hbm>> -> memref<1280xi32, #tpu.memory_space<hbm>>
    tpu.enqueue_dma source(%dma_start3A_163 : memref<1280xi32, #tpu.memory_space<hbm>>) target(%arg5 : memref<1280xi32, #tpu.memory_space<vmem>>) target_semaphore(%arg11 : memref<!tpu.dma_semaphore, #tpu.memory_space<semaphore_mem>>)
    %dma_wait3A_164 = arith.constant 0 : i32
    %dma_wait3A_165 = tpu.memref_slice %arg4[%add3A_133, %dma_wait3A_164] : memref<819200x32xf32, #tpu.memory_space<hbm>> -> memref<1280x32xf32, #tpu.memory_space<hbm>>
    %dma_wait3A_166 = arith.constant 0 : i32
    %dma_wait3A_167 = tpu.memref_slice %arg4[%add3A_133, %dma_wait3A_166] : memref<819200x32xf32, #tpu.memory_space<hbm>> -> memref<1280x32xf32, #tpu.memory_space<hbm>>
    tpu.wait_dma2 semaphore(%arg19 : memref<!tpu.dma_semaphore, #tpu.memory_space<semaphore_mem>>) src(%arg10 : memref<1280x32xf32, #tpu.memory_space<vmem>>) dst(%dma_wait3A_167 : memref<1280x32xf32, #tpu.memory_space<hbm>>)
    %dma_wait3A_168 = tpu.memref_slice %arg3[%add3A_139] : memref<819200xi32, #tpu.memory_space<hbm>> -> memref<1280xi32, #tpu.memory_space<hbm>>
    %dma_wait3A_169 = tpu.memref_slice %arg3[%add3A_139] : memref<819200xi32, #tpu.memory_space<hbm>> -> memref<1280xi32, #tpu.memory_space<hbm>>
    tpu.wait_dma2 semaphore(%arg13 : memref<!tpu.dma_semaphore, #tpu.memory_space<semaphore_mem>>) src(%dma_wait3A_169 : memref<1280xi32, #tpu.memory_space<hbm>>) dst(%arg7 : memref<1280xi32, #tpu.memory_space<vmem>>)
    %dma_start3A_170 = arith.constant 0 : i32
    %dma_start3A_171 = arith.constant 0 : i32
    %dma_start3A_172 = tpu.memref_slice %arg2[%dma_start3A_170, %dma_start3A_171] : memref<1000000x32xf32, #tpu.memory_space<hbm>> -> memref<1000000x32xf32, #tpu.memory_space<hbm>>
    tpu.enqueue_indirect_dma source(%dma_start3A_172 : memref<1000000x32xf32, #tpu.memory_space<hbm>>) target(%arg10 : memref<1280x32xf32, #tpu.memory_space<vmem>>) offsets(%arg7 : memref<1280xi32, #tpu.memory_space<vmem>>) semaphore(%arg16 : memref<!tpu.dma_semaphore, #tpu.memory_space<semaphore_mem>>)
    %dma_wait3A_173 = arith.constant 0 : i32
    %dma_wait3A_174 = arith.constant 0 : i32
    %dma_wait3A_175 = tpu.memref_slice %arg2[%dma_wait3A_173, %dma_wait3A_174] : memref<1000000x32xf32, #tpu.memory_space<hbm>> -> memref<1000000x32xf32, #tpu.memory_space<hbm>>
    tpu.wait_indirect_dma semaphore(%arg15 : memref<!tpu.dma_semaphore, #tpu.memory_space<semaphore_mem>>) src(%dma_wait3A_175 : memref<1000000x32xf32, #tpu.memory_space<hbm>>) dst(%arg9 : memref<1280x32xf32, #tpu.memory_space<vmem>>)
    %add3A_176 = arith.constant 8960 : i32
    %add3A_177 = arith.addi %mul3A_2, %add3A_176 : i32
    %dma_start3A_178 = arith.constant 0 : i32
    %dma_start3A_179 = tpu.memref_slice %arg4[%add3A_177, %dma_start3A_178] : memref<819200x32xf32, #tpu.memory_space<hbm>> -> memref<1280x32xf32, #tpu.memory_space<hbm>>
    %dma_start3A_180 = arith.constant 0 : i32
    %dma_start3A_181 = tpu.memref_slice %arg4[%add3A_177, %dma_start3A_180] : memref<819200x32xf32, #tpu.memory_space<hbm>> -> memref<1280x32xf32, #tpu.memory_space<hbm>>
    tpu.enqueue_dma source(%arg9 : memref<1280x32xf32, #tpu.memory_space<vmem>>) target(%dma_start3A_181 : memref<1280x32xf32, #tpu.memory_space<hbm>>) target_semaphore(%arg18 : memref<!tpu.dma_semaphore, #tpu.memory_space<semaphore_mem>>)
    %add3A_182 = arith.constant 12800 : i32
    %add3A_183 = arith.addi %mul3A_2, %add3A_182 : i32
    %dma_start3A_184 = tpu.memref_slice %arg3[%add3A_183] : memref<819200xi32, #tpu.memory_space<hbm>> -> memref<1280xi32, #tpu.memory_space<hbm>>
    %dma_start3A_185 = tpu.memref_slice %arg3[%add3A_183] : memref<819200xi32, #tpu.memory_space<hbm>> -> memref<1280xi32, #tpu.memory_space<hbm>>
    tpu.enqueue_dma source(%dma_start3A_185 : memref<1280xi32, #tpu.memory_space<hbm>>) target(%arg6 : memref<1280xi32, #tpu.memory_space<vmem>>) target_semaphore(%arg12 : memref<!tpu.dma_semaphore, #tpu.memory_space<semaphore_mem>>)
    %dma_wait3A_186 = arith.constant 0 : i32
    %dma_wait3A_187 = tpu.memref_slice %arg4[%add3A_155, %dma_wait3A_186] : memref<819200x32xf32, #tpu.memory_space<hbm>> -> memref<1280x32xf32, #tpu.memory_space<hbm>>
    %dma_wait3A_188 = arith.constant 0 : i32
    %dma_wait3A_189 = tpu.memref_slice %arg4[%add3A_155, %dma_wait3A_188] : memref<819200x32xf32, #tpu.memory_space<hbm>> -> memref<1280x32xf32, #tpu.memory_space<hbm>>
    tpu.wait_dma2 semaphore(%arg17 : memref<!tpu.dma_semaphore, #tpu.memory_space<semaphore_mem>>) src(%arg8 : memref<1280x32xf32, #tpu.memory_space<vmem>>) dst(%dma_wait3A_189 : memref<1280x32xf32, #tpu.memory_space<hbm>>)
    %dma_wait3A_190 = tpu.memref_slice %arg3[%add3A_161] : memref<819200xi32, #tpu.memory_space<hbm>> -> memref<1280xi32, #tpu.memory_space<hbm>>
    %dma_wait3A_191 = tpu.memref_slice %arg3[%add3A_161] : memref<819200xi32, #tpu.memory_space<hbm>> -> memref<1280xi32, #tpu.memory_space<hbm>>
    tpu.wait_dma2 semaphore(%arg11 : memref<!tpu.dma_semaphore, #tpu.memory_space<semaphore_mem>>) src(%dma_wait3A_191 : memref<1280xi32, #tpu.memory_space<hbm>>) dst(%arg5 : memref<1280xi32, #tpu.memory_space<vmem>>)
    %dma_start3A_192 = arith.constant 0 : i32
    %dma_start3A_193 = arith.constant 0 : i32
    %dma_start3A_194 = tpu.memref_slice %arg2[%dma_start3A_192, %dma_start3A_193] : memref<1000000x32xf32, #tpu.memory_space<hbm>> -> memref<1000000x32xf32, #tpu.memory_space<hbm>>
    tpu.enqueue_indirect_dma source(%dma_start3A_194 : memref<1000000x32xf32, #tpu.memory_space<hbm>>) target(%arg8 : memref<1280x32xf32, #tpu.memory_space<vmem>>) offsets(%arg5 : memref<1280xi32, #tpu.memory_space<vmem>>) semaphore(%arg14 : memref<!tpu.dma_semaphore, #tpu.memory_space<semaphore_mem>>)
    %dma_wait3A_195 = arith.constant 0 : i32
    %dma_wait3A_196 = arith.constant 0 : i32
    %dma_wait3A_197 = tpu.memref_slice %arg2[%dma_wait3A_195, %dma_wait3A_196] : memref<1000000x32xf32, #tpu.memory_space<hbm>> -> memref<1000000x32xf32, #tpu.memory_space<hbm>>
    tpu.wait_indirect_dma semaphore(%arg16 : memref<!tpu.dma_semaphore, #tpu.memory_space<semaphore_mem>>) src(%dma_wait3A_197 : memref<1000000x32xf32, #tpu.memory_space<hbm>>) dst(%arg10 : memref<1280x32xf32, #tpu.memory_space<vmem>>)
    %add3A_198 = arith.constant 10240 : i32
    %add3A_199 = arith.addi %mul3A_2, %add3A_198 : i32
    %dma_start3A_200 = arith.constant 0 : i32
    %dma_start3A_201 = tpu.memref_slice %arg4[%add3A_199, %dma_start3A_200] : memref<819200x32xf32, #tpu.memory_space<hbm>> -> memref<1280x32xf32, #tpu.memory_space<hbm>>
    %dma_start3A_202 = arith.constant 0 : i32
    %dma_start3A_203 = tpu.memref_slice %arg4[%add3A_199, %dma_start3A_202] : memref<819200x32xf32, #tpu.memory_space<hbm>> -> memref<1280x32xf32, #tpu.memory_space<hbm>>
    tpu.enqueue_dma source(%arg10 : memref<1280x32xf32, #tpu.memory_space<vmem>>) target(%dma_start3A_203 : memref<1280x32xf32, #tpu.memory_space<hbm>>) target_semaphore(%arg19 : memref<!tpu.dma_semaphore, #tpu.memory_space<semaphore_mem>>)
    %add3A_204 = arith.constant 14080 : i32
    %add3A_205 = arith.addi %mul3A_2, %add3A_204 : i32
    %dma_start3A_206 = tpu.memref_slice %arg3[%add3A_205] : memref<819200xi32, #tpu.memory_space<hbm>> -> memref<1280xi32, #tpu.memory_space<hbm>>
    %dma_start3A_207 = tpu.memref_slice %arg3[%add3A_205] : memref<819200xi32, #tpu.memory_space<hbm>> -> memref<1280xi32, #tpu.memory_space<hbm>>
    tpu.enqueue_dma source(%dma_start3A_207 : memref<1280xi32, #tpu.memory_space<hbm>>) target(%arg7 : memref<1280xi32, #tpu.memory_space<vmem>>) target_semaphore(%arg13 : memref<!tpu.dma_semaphore, #tpu.memory_space<semaphore_mem>>)
    %dma_wait3A_208 = arith.constant 0 : i32
    %dma_wait3A_209 = tpu.memref_slice %arg4[%add3A_177, %dma_wait3A_208] : memref<819200x32xf32, #tpu.memory_space<hbm>> -> memref<1280x32xf32, #tpu.memory_space<hbm>>
    %dma_wait3A_210 = arith.constant 0 : i32
    %dma_wait3A_211 = tpu.memref_slice %arg4[%add3A_177, %dma_wait3A_210] : memref<819200x32xf32, #tpu.memory_space<hbm>> -> memref<1280x32xf32, #tpu.memory_space<hbm>>
    tpu.wait_dma2 semaphore(%arg18 : memref<!tpu.dma_semaphore, #tpu.memory_space<semaphore_mem>>) src(%arg9 : memref<1280x32xf32, #tpu.memory_space<vmem>>) dst(%dma_wait3A_211 : memref<1280x32xf32, #tpu.memory_space<hbm>>)
    %dma_wait3A_212 = tpu.memref_slice %arg3[%add3A_183] : memref<819200xi32, #tpu.memory_space<hbm>> -> memref<1280xi32, #tpu.memory_space<hbm>>
    %dma_wait3A_213 = tpu.memref_slice %arg3[%add3A_183] : memref<819200xi32, #tpu.memory_space<hbm>> -> memref<1280xi32, #tpu.memory_space<hbm>>
    tpu.wait_dma2 semaphore(%arg12 : memref<!tpu.dma_semaphore, #tpu.memory_space<semaphore_mem>>) src(%dma_wait3A_213 : memref<1280xi32, #tpu.memory_space<hbm>>) dst(%arg6 : memref<1280xi32, #tpu.memory_space<vmem>>)
    %dma_start3A_214 = arith.constant 0 : i32
    %dma_start3A_215 = arith.constant 0 : i32
    %dma_start3A_216 = tpu.memref_slice %arg2[%dma_start3A_214, %dma_start3A_215] : memref<1000000x32xf32, #tpu.memory_space<hbm>> -> memref<1000000x32xf32, #tpu.memory_space<hbm>>
    tpu.enqueue_indirect_dma source(%dma_start3A_216 : memref<1000000x32xf32, #tpu.memory_space<hbm>>) target(%arg9 : memref<1280x32xf32, #tpu.memory_space<vmem>>) offsets(%arg6 : memref<1280xi32, #tpu.memory_space<vmem>>) semaphore(%arg15 : memref<!tpu.dma_semaphore, #tpu.memory_space<semaphore_mem>>)
    %dma_wait3A_217 = arith.constant 0 : i32
    %dma_wait3A_218 = arith.constant 0 : i32
    %dma_wait3A_219 = tpu.memref_slice %arg2[%dma_wait3A_217, %dma_wait3A_218] : memref<1000000x32xf32, #tpu.memory_space<hbm>> -> memref<1000000x32xf32, #tpu.memory_space<hbm>>
    tpu.wait_indirect_dma semaphore(%arg14 : memref<!tpu.dma_semaphore, #tpu.memory_space<semaphore_mem>>) src(%dma_wait3A_219 : memref<1000000x32xf32, #tpu.memory_space<hbm>>) dst(%arg8 : memref<1280x32xf32, #tpu.memory_space<vmem>>)
    %add3A_220 = arith.constant 11520 : i32
    %add3A_221 = arith.addi %mul3A_2, %add3A_220 : i32
    %dma_start3A_222 = arith.constant 0 : i32
    %dma_start3A_223 = tpu.memref_slice %arg4[%add3A_221, %dma_start3A_222] : memref<819200x32xf32, #tpu.memory_space<hbm>> -> memref<1280x32xf32, #tpu.memory_space<hbm>>
    %dma_start3A_224 = arith.constant 0 : i32
    %dma_start3A_225 = tpu.memref_slice %arg4[%add3A_221, %dma_start3A_224] : memref<819200x32xf32, #tpu.memory_space<hbm>> -> memref<1280x32xf32, #tpu.memory_space<hbm>>
    tpu.enqueue_dma source(%arg8 : memref<1280x32xf32, #tpu.memory_space<vmem>>) target(%dma_start3A_225 : memref<1280x32xf32, #tpu.memory_space<hbm>>) target_semaphore(%arg17 : memref<!tpu.dma_semaphore, #tpu.memory_space<semaphore_mem>>)
    %add3A_226 = arith.constant 15360 : i32
    %add3A_227 = arith.addi %mul3A_2, %add3A_226 : i32
    %dma_start3A_228 = tpu.memref_slice %arg3[%add3A_227] : memref<819200xi32, #tpu.memory_space<hbm>> -> memref<1280xi32, #tpu.memory_space<hbm>>
    %dma_start3A_229 = tpu.memref_slice %arg3[%add3A_227] : memref<819200xi32, #tpu.memory_space<hbm>> -> memref<1280xi32, #tpu.memory_space<hbm>>
    tpu.enqueue_dma source(%dma_start3A_229 : memref<1280xi32, #tpu.memory_space<hbm>>) target(%arg5 : memref<1280xi32, #tpu.memory_space<vmem>>) target_semaphore(%arg11 : memref<!tpu.dma_semaphore, #tpu.memory_space<semaphore_mem>>)
    %dma_wait3A_230 = arith.constant 0 : i32
    %dma_wait3A_231 = tpu.memref_slice %arg4[%add3A_199, %dma_wait3A_230] : memref<819200x32xf32, #tpu.memory_space<hbm>> -> memref<1280x32xf32, #tpu.memory_space<hbm>>
    %dma_wait3A_232 = arith.constant 0 : i32
    %dma_wait3A_233 = tpu.memref_slice %arg4[%add3A_199, %dma_wait3A_232] : memref<819200x32xf32, #tpu.memory_space<hbm>> -> memref<1280x32xf32, #tpu.memory_space<hbm>>
    tpu.wait_dma2 semaphore(%arg19 : memref<!tpu.dma_semaphore, #tpu.memory_space<semaphore_mem>>) src(%arg10 : memref<1280x32xf32, #tpu.memory_space<vmem>>) dst(%dma_wait3A_233 : memref<1280x32xf32, #tpu.memory_space<hbm>>)
    %dma_wait3A_234 = tpu.memref_slice %arg3[%add3A_205] : memref<819200xi32, #tpu.memory_space<hbm>> -> memref<1280xi32, #tpu.memory_space<hbm>>
    %dma_wait3A_235 = tpu.memref_slice %arg3[%add3A_205] : memref<819200xi32, #tpu.memory_space<hbm>> -> memref<1280xi32, #tpu.memory_space<hbm>>
    tpu.wait_dma2 semaphore(%arg13 : memref<!tpu.dma_semaphore, #tpu.memory_space<semaphore_mem>>) src(%dma_wait3A_235 : memref<1280xi32, #tpu.memory_space<hbm>>) dst(%arg7 : memref<1280xi32, #tpu.memory_space<vmem>>)
    %dma_start3A_236 = arith.constant 0 : i32
    %dma_start3A_237 = arith.constant 0 : i32
    %dma_start3A_238 = tpu.memref_slice %arg2[%dma_start3A_236, %dma_start3A_237] : memref<1000000x32xf32, #tpu.memory_space<hbm>> -> memref<1000000x32xf32, #tpu.memory_space<hbm>>
    tpu.enqueue_indirect_dma source(%dma_start3A_238 : memref<1000000x32xf32, #tpu.memory_space<hbm>>) target(%arg10 : memref<1280x32xf32, #tpu.memory_space<vmem>>) offsets(%arg7 : memref<1280xi32, #tpu.memory_space<vmem>>) semaphore(%arg16 : memref<!tpu.dma_semaphore, #tpu.memory_space<semaphore_mem>>)
    %dma_wait3A_239 = arith.constant 0 : i32
    %dma_wait3A_240 = arith.constant 0 : i32
    %dma_wait3A_241 = tpu.memref_slice %arg2[%dma_wait3A_239, %dma_wait3A_240] : memref<1000000x32xf32, #tpu.memory_space<hbm>> -> memref<1000000x32xf32, #tpu.memory_space<hbm>>
    tpu.wait_indirect_dma semaphore(%arg15 : memref<!tpu.dma_semaphore, #tpu.memory_space<semaphore_mem>>) src(%dma_wait3A_241 : memref<1000000x32xf32, #tpu.memory_space<hbm>>) dst(%arg9 : memref<1280x32xf32, #tpu.memory_space<vmem>>)
    %add3A_242 = arith.constant 12800 : i32
    %add3A_243 = arith.addi %mul3A_2, %add3A_242 : i32
    %dma_start3A_244 = arith.constant 0 : i32
    %dma_start3A_245 = tpu.memref_slice %arg4[%add3A_243, %dma_start3A_244] : memref<819200x32xf32, #tpu.memory_space<hbm>> -> memref<1280x32xf32, #tpu.memory_space<hbm>>
    %dma_start3A_246 = arith.constant 0 : i32
    %dma_start3A_247 = tpu.memref_slice %arg4[%add3A_243, %dma_start3A_246] : memref<819200x32xf32, #tpu.memory_space<hbm>> -> memref<1280x32xf32, #tpu.memory_space<hbm>>
    tpu.enqueue_dma source(%arg9 : memref<1280x32xf32, #tpu.memory_space<vmem>>) target(%dma_start3A_247 : memref<1280x32xf32, #tpu.memory_space<hbm>>) target_semaphore(%arg18 : memref<!tpu.dma_semaphore, #tpu.memory_space<semaphore_mem>>)
    %add3A_248 = arith.constant 16640 : i32
    %add3A_249 = arith.addi %mul3A_2, %add3A_248 : i32
    %dma_start3A_250 = tpu.memref_slice %arg3[%add3A_249] : memref<819200xi32, #tpu.memory_space<hbm>> -> memref<1280xi32, #tpu.memory_space<hbm>>
    %dma_start3A_251 = tpu.memref_slice %arg3[%add3A_249] : memref<819200xi32, #tpu.memory_space<hbm>> -> memref<1280xi32, #tpu.memory_space<hbm>>
    tpu.enqueue_dma source(%dma_start3A_251 : memref<1280xi32, #tpu.memory_space<hbm>>) target(%arg6 : memref<1280xi32, #tpu.memory_space<vmem>>) target_semaphore(%arg12 : memref<!tpu.dma_semaphore, #tpu.memory_space<semaphore_mem>>)
    %dma_wait3A_252 = arith.constant 0 : i32
    %dma_wait3A_253 = tpu.memref_slice %arg4[%add3A_221, %dma_wait3A_252] : memref<819200x32xf32, #tpu.memory_space<hbm>> -> memref<1280x32xf32, #tpu.memory_space<hbm>>
    %dma_wait3A_254 = arith.constant 0 : i32
    %dma_wait3A_255 = tpu.memref_slice %arg4[%add3A_221, %dma_wait3A_254] : memref<819200x32xf32, #tpu.memory_space<hbm>> -> memref<1280x32xf32, #tpu.memory_space<hbm>>
    tpu.wait_dma2 semaphore(%arg17 : memref<!tpu.dma_semaphore, #tpu.memory_space<semaphore_mem>>) src(%arg8 : memref<1280x32xf32, #tpu.memory_space<vmem>>) dst(%dma_wait3A_255 : memref<1280x32xf32, #tpu.memory_space<hbm>>)
    %dma_wait3A_256 = tpu.memref_slice %arg3[%add3A_227] : memref<819200xi32, #tpu.memory_space<hbm>> -> memref<1280xi32, #tpu.memory_space<hbm>>
    %dma_wait3A_257 = tpu.memref_slice %arg3[%add3A_227] : memref<819200xi32, #tpu.memory_space<hbm>> -> memref<1280xi32, #tpu.memory_space<hbm>>
    tpu.wait_dma2 semaphore(%arg11 : memref<!tpu.dma_semaphore, #tpu.memory_space<semaphore_mem>>) src(%dma_wait3A_257 : memref<1280xi32, #tpu.memory_space<hbm>>) dst(%arg5 : memref<1280xi32, #tpu.memory_space<vmem>>)
    %dma_start3A_258 = arith.constant 0 : i32
    %dma_start3A_259 = arith.constant 0 : i32
    %dma_start3A_260 = tpu.memref_slice %arg2[%dma_start3A_258, %dma_start3A_259] : memref<1000000x32xf32, #tpu.memory_space<hbm>> -> memref<1000000x32xf32, #tpu.memory_space<hbm>>
    tpu.enqueue_indirect_dma source(%dma_start3A_260 : memref<1000000x32xf32, #tpu.memory_space<hbm>>) target(%arg8 : memref<1280x32xf32, #tpu.memory_space<vmem>>) offsets(%arg5 : memref<1280xi32, #tpu.memory_space<vmem>>) semaphore(%arg14 : memref<!tpu.dma_semaphore, #tpu.memory_space<semaphore_mem>>)
    %dma_wait3A_261 = arith.constant 0 : i32
    %dma_wait3A_262 = arith.constant 0 : i32
    %dma_wait3A_263 = tpu.memref_slice %arg2[%dma_wait3A_261, %dma_wait3A_262] : memref<1000000x32xf32, #tpu.memory_space<hbm>> -> memref<1000000x32xf32, #tpu.memory_space<hbm>>
    tpu.wait_indirect_dma semaphore(%arg16 : memref<!tpu.dma_semaphore, #tpu.memory_space<semaphore_mem>>) src(%dma_wait3A_263 : memref<1000000x32xf32, #tpu.memory_space<hbm>>) dst(%arg10 : memref<1280x32xf32, #tpu.memory_space<vmem>>)
    %add3A_264 = arith.constant 14080 : i32
    %add3A_265 = arith.addi %mul3A_2, %add3A_264 : i32
    %dma_start3A_266 = arith.constant 0 : i32
    %dma_start3A_267 = tpu.memref_slice %arg4[%add3A_265, %dma_start3A_266] : memref<819200x32xf32, #tpu.memory_space<hbm>> -> memref<1280x32xf32, #tpu.memory_space<hbm>>
    %dma_start3A_268 = arith.constant 0 : i32
    %dma_start3A_269 = tpu.memref_slice %arg4[%add3A_265, %dma_start3A_268] : memref<819200x32xf32, #tpu.memory_space<hbm>> -> memref<1280x32xf32, #tpu.memory_space<hbm>>
    tpu.enqueue_dma source(%arg10 : memref<1280x32xf32, #tpu.memory_space<vmem>>) target(%dma_start3A_269 : memref<1280x32xf32, #tpu.memory_space<hbm>>) target_semaphore(%arg19 : memref<!tpu.dma_semaphore, #tpu.memory_space<semaphore_mem>>)
    %add3A_270 = arith.constant 17920 : i32
    %add3A_271 = arith.addi %mul3A_2, %add3A_270 : i32
    %dma_start3A_272 = tpu.memref_slice %arg3[%add3A_271] : memref<819200xi32, #tpu.memory_space<hbm>> -> memref<1280xi32, #tpu.memory_space<hbm>>
    %dma_start3A_273 = tpu.memref_slice %arg3[%add3A_271] : memref<819200xi32, #tpu.memory_space<hbm>> -> memref<1280xi32, #tpu.memory_space<hbm>>
    tpu.enqueue_dma source(%dma_start3A_273 : memref<1280xi32, #tpu.memory_space<hbm>>) target(%arg7 : memref<1280xi32, #tpu.memory_space<vmem>>) target_semaphore(%arg13 : memref<!tpu.dma_semaphore, #tpu.memory_space<semaphore_mem>>)
    %dma_wait3A_274 = arith.constant 0 : i32
    %dma_wait3A_275 = tpu.memref_slice %arg4[%add3A_243, %dma_wait3A_274] : memref<819200x32xf32, #tpu.memory_space<hbm>> -> memref<1280x32xf32, #tpu.memory_space<hbm>>
    %dma_wait3A_276 = arith.constant 0 : i32
    %dma_wait3A_277 = tpu.memref_slice %arg4[%add3A_243, %dma_wait3A_276] : memref<819200x32xf32, #tpu.memory_space<hbm>> -> memref<1280x32xf32, #tpu.memory_space<hbm>>
    tpu.wait_dma2 semaphore(%arg18 : memref<!tpu.dma_semaphore, #tpu.memory_space<semaphore_mem>>) src(%arg9 : memref<1280x32xf32, #tpu.memory_space<vmem>>) dst(%dma_wait3A_277 : memref<1280x32xf32, #tpu.memory_space<hbm>>)
    %dma_wait3A_278 = tpu.memref_slice %arg3[%add3A_249] : memref<819200xi32, #tpu.memory_space<hbm>> -> memref<1280xi32, #tpu.memory_space<hbm>>
    %dma_wait3A_279 = tpu.memref_slice %arg3[%add3A_249] : memref<819200xi32, #tpu.memory_space<hbm>> -> memref<1280xi32, #tpu.memory_space<hbm>>
    tpu.wait_dma2 semaphore(%arg12 : memref<!tpu.dma_semaphore, #tpu.memory_space<semaphore_mem>>) src(%dma_wait3A_279 : memref<1280xi32, #tpu.memory_space<hbm>>) dst(%arg6 : memref<1280xi32, #tpu.memory_space<vmem>>)
    %dma_start3A_280 = arith.constant 0 : i32
    %dma_start3A_281 = arith.constant 0 : i32
    %dma_start3A_282 = tpu.memref_slice %arg2[%dma_start3A_280, %dma_start3A_281] : memref<1000000x32xf32, #tpu.memory_space<hbm>> -> memref<1000000x32xf32, #tpu.memory_space<hbm>>
    tpu.enqueue_indirect_dma source(%dma_start3A_282 : memref<1000000x32xf32, #tpu.memory_space<hbm>>) target(%arg9 : memref<1280x32xf32, #tpu.memory_space<vmem>>) offsets(%arg6 : memref<1280xi32, #tpu.memory_space<vmem>>) semaphore(%arg15 : memref<!tpu.dma_semaphore, #tpu.memory_space<semaphore_mem>>)
    %dma_wait3A_283 = arith.constant 0 : i32
    %dma_wait3A_284 = arith.constant 0 : i32
    %dma_wait3A_285 = tpu.memref_slice %arg2[%dma_wait3A_283, %dma_wait3A_284] : memref<1000000x32xf32, #tpu.memory_space<hbm>> -> memref<1000000x32xf32, #tpu.memory_space<hbm>>
    tpu.wait_indirect_dma semaphore(%arg14 : memref<!tpu.dma_semaphore, #tpu.memory_space<semaphore_mem>>) src(%dma_wait3A_285 : memref<1000000x32xf32, #tpu.memory_space<hbm>>) dst(%arg8 : memref<1280x32xf32, #tpu.memory_space<vmem>>)
    %add3A_286 = arith.constant 15360 : i32
    %add3A_287 = arith.addi %mul3A_2, %add3A_286 : i32
    %dma_start3A_288 = arith.constant 0 : i32
    %dma_start3A_289 = tpu.memref_slice %arg4[%add3A_287, %dma_start3A_288] : memref<819200x32xf32, #tpu.memory_space<hbm>> -> memref<1280x32xf32, #tpu.memory_space<hbm>>
    %dma_start3A_290 = arith.constant 0 : i32
    %dma_start3A_291 = tpu.memref_slice %arg4[%add3A_287, %dma_start3A_290] : memref<819200x32xf32, #tpu.memory_space<hbm>> -> memref<1280x32xf32, #tpu.memory_space<hbm>>
    tpu.enqueue_dma source(%arg8 : memref<1280x32xf32, #tpu.memory_space<vmem>>) target(%dma_start3A_291 : memref<1280x32xf32, #tpu.memory_space<hbm>>) target_semaphore(%arg17 : memref<!tpu.dma_semaphore, #tpu.memory_space<semaphore_mem>>)
    %add3A_292 = arith.constant 19200 : i32
    %add3A_293 = arith.addi %mul3A_2, %add3A_292 : i32
    %dma_start3A_294 = tpu.memref_slice %arg3[%add3A_293] : memref<819200xi32, #tpu.memory_space<hbm>> -> memref<1280xi32, #tpu.memory_space<hbm>>
    %dma_start3A_295 = tpu.memref_slice %arg3[%add3A_293] : memref<819200xi32, #tpu.memory_space<hbm>> -> memref<1280xi32, #tpu.memory_space<hbm>>
    tpu.enqueue_dma source(%dma_start3A_295 : memref<1280xi32, #tpu.memory_space<hbm>>) target(%arg5 : memref<1280xi32, #tpu.memory_space<vmem>>) target_semaphore(%arg11 : memref<!tpu.dma_semaphore, #tpu.memory_space<semaphore_mem>>)
    %dma_wait3A_296 = arith.constant 0 : i32
    %dma_wait3A_297 = tpu.memref_slice %arg4[%add3A_265, %dma_wait3A_296] : memref<819200x32xf32, #tpu.memory_space<hbm>> -> memref<1280x32xf32, #tpu.memory_space<hbm>>
    %dma_wait3A_298 = arith.constant 0 : i32
    %dma_wait3A_299 = tpu.memref_slice %arg4[%add3A_265, %dma_wait3A_298] : memref<819200x32xf32, #tpu.memory_space<hbm>> -> memref<1280x32xf32, #tpu.memory_space<hbm>>
    tpu.wait_dma2 semaphore(%arg19 : memref<!tpu.dma_semaphore, #tpu.memory_space<semaphore_mem>>) src(%arg10 : memref<1280x32xf32, #tpu.memory_space<vmem>>) dst(%dma_wait3A_299 : memref<1280x32xf32, #tpu.memory_space<hbm>>)
    %dma_wait3A_300 = tpu.memref_slice %arg3[%add3A_271] : memref<819200xi32, #tpu.memory_space<hbm>> -> memref<1280xi32, #tpu.memory_space<hbm>>
    %dma_wait3A_301 = tpu.memref_slice %arg3[%add3A_271] : memref<819200xi32, #tpu.memory_space<hbm>> -> memref<1280xi32, #tpu.memory_space<hbm>>
    tpu.wait_dma2 semaphore(%arg13 : memref<!tpu.dma_semaphore, #tpu.memory_space<semaphore_mem>>) src(%dma_wait3A_301 : memref<1280xi32, #tpu.memory_space<hbm>>) dst(%arg7 : memref<1280xi32, #tpu.memory_space<vmem>>)
    %dma_start3A_302 = arith.constant 0 : i32
    %dma_start3A_303 = arith.constant 0 : i32
    %dma_start3A_304 = tpu.memref_slice %arg2[%dma_start3A_302, %dma_start3A_303] : memref<1000000x32xf32, #tpu.memory_space<hbm>> -> memref<1000000x32xf32, #tpu.memory_space<hbm>>
    tpu.enqueue_indirect_dma source(%dma_start3A_304 : memref<1000000x32xf32, #tpu.memory_space<hbm>>) target(%arg10 : memref<1280x32xf32, #tpu.memory_space<vmem>>) offsets(%arg7 : memref<1280xi32, #tpu.memory_space<vmem>>) semaphore(%arg16 : memref<!tpu.dma_semaphore, #tpu.memory_space<semaphore_mem>>)
    %dma_wait3A_305 = arith.constant 0 : i32
    %dma_wait3A_306 = arith.constant 0 : i32
    %dma_wait3A_307 = tpu.memref_slice %arg2[%dma_wait3A_305, %dma_wait3A_306] : memref<1000000x32xf32, #tpu.memory_space<hbm>> -> memref<1000000x32xf32, #tpu.memory_space<hbm>>
    tpu.wait_indirect_dma semaphore(%arg15 : memref<!tpu.dma_semaphore, #tpu.memory_space<semaphore_mem>>) src(%dma_wait3A_307 : memref<1000000x32xf32, #tpu.memory_space<hbm>>) dst(%arg9 : memref<1280x32xf32, #tpu.memory_space<vmem>>)
    %add3A_308 = arith.constant 16640 : i32
    %add3A_309 = arith.addi %mul3A_2, %add3A_308 : i32
    %dma_start3A_310 = arith.constant 0 : i32
    %dma_start3A_311 = tpu.memref_slice %arg4[%add3A_309, %dma_start3A_310] : memref<819200x32xf32, #tpu.memory_space<hbm>> -> memref<1280x32xf32, #tpu.memory_space<hbm>>
    %dma_start3A_312 = arith.constant 0 : i32
    %dma_start3A_313 = tpu.memref_slice %arg4[%add3A_309, %dma_start3A_312] : memref<819200x32xf32, #tpu.memory_space<hbm>> -> memref<1280x32xf32, #tpu.memory_space<hbm>>
    tpu.enqueue_dma source(%arg9 : memref<1280x32xf32, #tpu.memory_space<vmem>>) target(%dma_start3A_313 : memref<1280x32xf32, #tpu.memory_space<hbm>>) target_semaphore(%arg18 : memref<!tpu.dma_semaphore, #tpu.memory_space<semaphore_mem>>)
    %add3A_314 = arith.constant 20480 : i32
    %add3A_315 = arith.addi %mul3A_2, %add3A_314 : i32
    %dma_start3A_316 = tpu.memref_slice %arg3[%add3A_315] : memref<819200xi32, #tpu.memory_space<hbm>> -> memref<1280xi32, #tpu.memory_space<hbm>>
    %dma_start3A_317 = tpu.memref_slice %arg3[%add3A_315] : memref<819200xi32, #tpu.memory_space<hbm>> -> memref<1280xi32, #tpu.memory_space<hbm>>
    tpu.enqueue_dma source(%dma_start3A_317 : memref<1280xi32, #tpu.memory_space<hbm>>) target(%arg6 : memref<1280xi32, #tpu.memory_space<vmem>>) target_semaphore(%arg12 : memref<!tpu.dma_semaphore, #tpu.memory_space<semaphore_mem>>)
    %dma_wait3A_318 = arith.constant 0 : i32
    %dma_wait3A_319 = tpu.memref_slice %arg4[%add3A_287, %dma_wait3A_318] : memref<819200x32xf32, #tpu.memory_space<hbm>> -> memref<1280x32xf32, #tpu.memory_space<hbm>>
    %dma_wait3A_320 = arith.constant 0 : i32
    %dma_wait3A_321 = tpu.memref_slice %arg4[%add3A_287, %dma_wait3A_320] : memref<819200x32xf32, #tpu.memory_space<hbm>> -> memref<1280x32xf32, #tpu.memory_space<hbm>>
    tpu.wait_dma2 semaphore(%arg17 : memref<!tpu.dma_semaphore, #tpu.memory_space<semaphore_mem>>) src(%arg8 : memref<1280x32xf32, #tpu.memory_space<vmem>>) dst(%dma_wait3A_321 : memref<1280x32xf32, #tpu.memory_space<hbm>>)
    %dma_wait3A_322 = tpu.memref_slice %arg3[%add3A_293] : memref<819200xi32, #tpu.memory_space<hbm>> -> memref<1280xi32, #tpu.memory_space<hbm>>
    %dma_wait3A_323 = tpu.memref_slice %arg3[%add3A_293] : memref<819200xi32, #tpu.memory_space<hbm>> -> memref<1280xi32, #tpu.memory_space<hbm>>
    tpu.wait_dma2 semaphore(%arg11 : memref<!tpu.dma_semaphore, #tpu.memory_space<semaphore_mem>>) src(%dma_wait3A_323 : memref<1280xi32, #tpu.memory_space<hbm>>) dst(%arg5 : memref<1280xi32, #tpu.memory_space<vmem>>)
    %dma_start3A_324 = arith.constant 0 : i32
    %dma_start3A_325 = arith.constant 0 : i32
    %dma_start3A_326 = tpu.memref_slice %arg2[%dma_start3A_324, %dma_start3A_325] : memref<1000000x32xf32, #tpu.memory_space<hbm>> -> memref<1000000x32xf32, #tpu.memory_space<hbm>>
    tpu.enqueue_indirect_dma source(%dma_start3A_326 : memref<1000000x32xf32, #tpu.memory_space<hbm>>) target(%arg8 : memref<1280x32xf32, #tpu.memory_space<vmem>>) offsets(%arg5 : memref<1280xi32, #tpu.memory_space<vmem>>) semaphore(%arg14 : memref<!tpu.dma_semaphore, #tpu.memory_space<semaphore_mem>>)
    %dma_wait3A_327 = arith.constant 0 : i32
    %dma_wait3A_328 = arith.constant 0 : i32
    %dma_wait3A_329 = tpu.memref_slice %arg2[%dma_wait3A_327, %dma_wait3A_328] : memref<1000000x32xf32, #tpu.memory_space<hbm>> -> memref<1000000x32xf32, #tpu.memory_space<hbm>>
    tpu.wait_indirect_dma semaphore(%arg16 : memref<!tpu.dma_semaphore, #tpu.memory_space<semaphore_mem>>) src(%dma_wait3A_329 : memref<1000000x32xf32, #tpu.memory_space<hbm>>) dst(%arg10 : memref<1280x32xf32, #tpu.memory_space<vmem>>)
    %add3A_330 = arith.constant 17920 : i32
    %add3A_331 = arith.addi %mul3A_2, %add3A_330 : i32
    %dma_start3A_332 = arith.constant 0 : i32
    %dma_start3A_333 = tpu.memref_slice %arg4[%add3A_331, %dma_start3A_332] : memref<819200x32xf32, #tpu.memory_space<hbm>> -> memref<1280x32xf32, #tpu.memory_space<hbm>>
    %dma_start3A_334 = arith.constant 0 : i32
    %dma_start3A_335 = tpu.memref_slice %arg4[%add3A_331, %dma_start3A_334] : memref<819200x32xf32, #tpu.memory_space<hbm>> -> memref<1280x32xf32, #tpu.memory_space<hbm>>
    tpu.enqueue_dma source(%arg10 : memref<1280x32xf32, #tpu.memory_space<vmem>>) target(%dma_start3A_335 : memref<1280x32xf32, #tpu.memory_space<hbm>>) target_semaphore(%arg19 : memref<!tpu.dma_semaphore, #tpu.memory_space<semaphore_mem>>)
    %add3A_336 = arith.constant 21760 : i32
    %add3A_337 = arith.addi %mul3A_2, %add3A_336 : i32
    %dma_start3A_338 = tpu.memref_slice %arg3[%add3A_337] : memref<819200xi32, #tpu.memory_space<hbm>> -> memref<1280xi32, #tpu.memory_space<hbm>>
    %dma_start3A_339 = tpu.memref_slice %arg3[%add3A_337] : memref<819200xi32, #tpu.memory_space<hbm>> -> memref<1280xi32, #tpu.memory_space<hbm>>
    tpu.enqueue_dma source(%dma_start3A_339 : memref<1280xi32, #tpu.memory_space<hbm>>) target(%arg7 : memref<1280xi32, #tpu.memory_space<vmem>>) target_semaphore(%arg13 : memref<!tpu.dma_semaphore, #tpu.memory_space<semaphore_mem>>)
    %dma_wait3A_340 = arith.constant 0 : i32
    %dma_wait3A_341 = tpu.memref_slice %arg4[%add3A_309, %dma_wait3A_340] : memref<819200x32xf32, #tpu.memory_space<hbm>> -> memref<1280x32xf32, #tpu.memory_space<hbm>>
    %dma_wait3A_342 = arith.constant 0 : i32
    %dma_wait3A_343 = tpu.memref_slice %arg4[%add3A_309, %dma_wait3A_342] : memref<819200x32xf32, #tpu.memory_space<hbm>> -> memref<1280x32xf32, #tpu.memory_space<hbm>>
    tpu.wait_dma2 semaphore(%arg18 : memref<!tpu.dma_semaphore, #tpu.memory_space<semaphore_mem>>) src(%arg9 : memref<1280x32xf32, #tpu.memory_space<vmem>>) dst(%dma_wait3A_343 : memref<1280x32xf32, #tpu.memory_space<hbm>>)
    %dma_wait3A_344 = tpu.memref_slice %arg3[%add3A_315] : memref<819200xi32, #tpu.memory_space<hbm>> -> memref<1280xi32, #tpu.memory_space<hbm>>
    %dma_wait3A_345 = tpu.memref_slice %arg3[%add3A_315] : memref<819200xi32, #tpu.memory_space<hbm>> -> memref<1280xi32, #tpu.memory_space<hbm>>
    tpu.wait_dma2 semaphore(%arg12 : memref<!tpu.dma_semaphore, #tpu.memory_space<semaphore_mem>>) src(%dma_wait3A_345 : memref<1280xi32, #tpu.memory_space<hbm>>) dst(%arg6 : memref<1280xi32, #tpu.memory_space<vmem>>)
    %dma_start3A_346 = arith.constant 0 : i32
    %dma_start3A_347 = arith.constant 0 : i32
    %dma_start3A_348 = tpu.memref_slice %arg2[%dma_start3A_346, %dma_start3A_347] : memref<1000000x32xf32, #tpu.memory_space<hbm>> -> memref<1000000x32xf32, #tpu.memory_space<hbm>>
    tpu.enqueue_indirect_dma source(%dma_start3A_348 : memref<1000000x32xf32, #tpu.memory_space<hbm>>) target(%arg9 : memref<1280x32xf32, #tpu.memory_space<vmem>>) offsets(%arg6 : memref<1280xi32, #tpu.memory_space<vmem>>) semaphore(%arg15 : memref<!tpu.dma_semaphore, #tpu.memory_space<semaphore_mem>>)
    %dma_wait3A_349 = arith.constant 0 : i32
    %dma_wait3A_350 = arith.constant 0 : i32
    %dma_wait3A_351 = tpu.memref_slice %arg2[%dma_wait3A_349, %dma_wait3A_350] : memref<1000000x32xf32, #tpu.memory_space<hbm>> -> memref<1000000x32xf32, #tpu.memory_space<hbm>>
    tpu.wait_indirect_dma semaphore(%arg14 : memref<!tpu.dma_semaphore, #tpu.memory_space<semaphore_mem>>) src(%dma_wait3A_351 : memref<1000000x32xf32, #tpu.memory_space<hbm>>) dst(%arg8 : memref<1280x32xf32, #tpu.memory_space<vmem>>)
    %add3A_352 = arith.constant 19200 : i32
    %add3A_353 = arith.addi %mul3A_2, %add3A_352 : i32
    %dma_start3A_354 = arith.constant 0 : i32
    %dma_start3A_355 = tpu.memref_slice %arg4[%add3A_353, %dma_start3A_354] : memref<819200x32xf32, #tpu.memory_space<hbm>> -> memref<1280x32xf32, #tpu.memory_space<hbm>>
    %dma_start3A_356 = arith.constant 0 : i32
    %dma_start3A_357 = tpu.memref_slice %arg4[%add3A_353, %dma_start3A_356] : memref<819200x32xf32, #tpu.memory_space<hbm>> -> memref<1280x32xf32, #tpu.memory_space<hbm>>
    tpu.enqueue_dma source(%arg8 : memref<1280x32xf32, #tpu.memory_space<vmem>>) target(%dma_start3A_357 : memref<1280x32xf32, #tpu.memory_space<hbm>>) target_semaphore(%arg17 : memref<!tpu.dma_semaphore, #tpu.memory_space<semaphore_mem>>)
    %add3A_358 = arith.constant 23040 : i32
    %add3A_359 = arith.addi %mul3A_2, %add3A_358 : i32
    %dma_start3A_360 = tpu.memref_slice %arg3[%add3A_359] : memref<819200xi32, #tpu.memory_space<hbm>> -> memref<1280xi32, #tpu.memory_space<hbm>>
    %dma_start3A_361 = tpu.memref_slice %arg3[%add3A_359] : memref<819200xi32, #tpu.memory_space<hbm>> -> memref<1280xi32, #tpu.memory_space<hbm>>
    tpu.enqueue_dma source(%dma_start3A_361 : memref<1280xi32, #tpu.memory_space<hbm>>) target(%arg5 : memref<1280xi32, #tpu.memory_space<vmem>>) target_semaphore(%arg11 : memref<!tpu.dma_semaphore, #tpu.memory_space<semaphore_mem>>)
    %dma_wait3A_362 = arith.constant 0 : i32
    %dma_wait3A_363 = tpu.memref_slice %arg4[%add3A_331, %dma_wait3A_362] : memref<819200x32xf32, #tpu.memory_space<hbm>> -> memref<1280x32xf32, #tpu.memory_space<hbm>>
    %dma_wait3A_364 = arith.constant 0 : i32
    %dma_wait3A_365 = tpu.memref_slice %arg4[%add3A_331, %dma_wait3A_364] : memref<819200x32xf32, #tpu.memory_space<hbm>> -> memref<1280x32xf32, #tpu.memory_space<hbm>>
    tpu.wait_dma2 semaphore(%arg19 : memref<!tpu.dma_semaphore, #tpu.memory_space<semaphore_mem>>) src(%arg10 : memref<1280x32xf32, #tpu.memory_space<vmem>>) dst(%dma_wait3A_365 : memref<1280x32xf32, #tpu.memory_space<hbm>>)
    %dma_wait3A_366 = tpu.memref_slice %arg3[%add3A_337] : memref<819200xi32, #tpu.memory_space<hbm>> -> memref<1280xi32, #tpu.memory_space<hbm>>
    %dma_wait3A_367 = tpu.memref_slice %arg3[%add3A_337] : memref<819200xi32, #tpu.memory_space<hbm>> -> memref<1280xi32, #tpu.memory_space<hbm>>
    tpu.wait_dma2 semaphore(%arg13 : memref<!tpu.dma_semaphore, #tpu.memory_space<semaphore_mem>>) src(%dma_wait3A_367 : memref<1280xi32, #tpu.memory_space<hbm>>) dst(%arg7 : memref<1280xi32, #tpu.memory_space<vmem>>)
    %dma_start3A_368 = arith.constant 0 : i32
    %dma_start3A_369 = arith.constant 0 : i32
    %dma_start3A_370 = tpu.memref_slice %arg2[%dma_start3A_368, %dma_start3A_369] : memref<1000000x32xf32, #tpu.memory_space<hbm>> -> memref<1000000x32xf32, #tpu.memory_space<hbm>>
    tpu.enqueue_indirect_dma source(%dma_start3A_370 : memref<1000000x32xf32, #tpu.memory_space<hbm>>) target(%arg10 : memref<1280x32xf32, #tpu.memory_space<vmem>>) offsets(%arg7 : memref<1280xi32, #tpu.memory_space<vmem>>) semaphore(%arg16 : memref<!tpu.dma_semaphore, #tpu.memory_space<semaphore_mem>>)
    %dma_wait3A_371 = arith.constant 0 : i32
    %dma_wait3A_372 = arith.constant 0 : i32
    %dma_wait3A_373 = tpu.memref_slice %arg2[%dma_wait3A_371, %dma_wait3A_372] : memref<1000000x32xf32, #tpu.memory_space<hbm>> -> memref<1000000x32xf32, #tpu.memory_space<hbm>>
    tpu.wait_indirect_dma semaphore(%arg15 : memref<!tpu.dma_semaphore, #tpu.memory_space<semaphore_mem>>) src(%dma_wait3A_373 : memref<1000000x32xf32, #tpu.memory_space<hbm>>) dst(%arg9 : memref<1280x32xf32, #tpu.memory_space<vmem>>)
    %add3A_374 = arith.constant 20480 : i32
    %add3A_375 = arith.addi %mul3A_2, %add3A_374 : i32
    %dma_start3A_376 = arith.constant 0 : i32
    %dma_start3A_377 = tpu.memref_slice %arg4[%add3A_375, %dma_start3A_376] : memref<819200x32xf32, #tpu.memory_space<hbm>> -> memref<1280x32xf32, #tpu.memory_space<hbm>>
    %dma_start3A_378 = arith.constant 0 : i32
    %dma_start3A_379 = tpu.memref_slice %arg4[%add3A_375, %dma_start3A_378] : memref<819200x32xf32, #tpu.memory_space<hbm>> -> memref<1280x32xf32, #tpu.memory_space<hbm>>
    tpu.enqueue_dma source(%arg9 : memref<1280x32xf32, #tpu.memory_space<vmem>>) target(%dma_start3A_379 : memref<1280x32xf32, #tpu.memory_space<hbm>>) target_semaphore(%arg18 : memref<!tpu.dma_semaphore, #tpu.memory_space<semaphore_mem>>)
    %add3A_380 = arith.constant 24320 : i32
    %add3A_381 = arith.addi %mul3A_2, %add3A_380 : i32
    %dma_start3A_382 = tpu.memref_slice %arg3[%add3A_381] : memref<819200xi32, #tpu.memory_space<hbm>> -> memref<1280xi32, #tpu.memory_space<hbm>>
    %dma_start3A_383 = tpu.memref_slice %arg3[%add3A_381] : memref<819200xi32, #tpu.memory_space<hbm>> -> memref<1280xi32, #tpu.memory_space<hbm>>
    tpu.enqueue_dma source(%dma_start3A_383 : memref<1280xi32, #tpu.memory_space<hbm>>) target(%arg6 : memref<1280xi32, #tpu.memory_space<vmem>>) target_semaphore(%arg12 : memref<!tpu.dma_semaphore, #tpu.memory_space<semaphore_mem>>)
    %dma_wait3A_384 = arith.constant 0 : i32
    %dma_wait3A_385 = tpu.memref_slice %arg4[%add3A_353, %dma_wait3A_384] : memref<819200x32xf32, #tpu.memory_space<hbm>> -> memref<1280x32xf32, #tpu.memory_space<hbm>>
    %dma_wait3A_386 = arith.constant 0 : i32
    %dma_wait3A_387 = tpu.memref_slice %arg4[%add3A_353, %dma_wait3A_386] : memref<819200x32xf32, #tpu.memory_space<hbm>> -> memref<1280x32xf32, #tpu.memory_space<hbm>>
    tpu.wait_dma2 semaphore(%arg17 : memref<!tpu.dma_semaphore, #tpu.memory_space<semaphore_mem>>) src(%arg8 : memref<1280x32xf32, #tpu.memory_space<vmem>>) dst(%dma_wait3A_387 : memref<1280x32xf32, #tpu.memory_space<hbm>>)
    %dma_wait3A_388 = tpu.memref_slice %arg3[%add3A_359] : memref<819200xi32, #tpu.memory_space<hbm>> -> memref<1280xi32, #tpu.memory_space<hbm>>
    %dma_wait3A_389 = tpu.memref_slice %arg3[%add3A_359] : memref<819200xi32, #tpu.memory_space<hbm>> -> memref<1280xi32, #tpu.memory_space<hbm>>
    tpu.wait_dma2 semaphore(%arg11 : memref<!tpu.dma_semaphore, #tpu.memory_space<semaphore_mem>>) src(%dma_wait3A_389 : memref<1280xi32, #tpu.memory_space<hbm>>) dst(%arg5 : memref<1280xi32, #tpu.memory_space<vmem>>)
    %dma_start3A_390 = arith.constant 0 : i32
    %dma_start3A_391 = arith.constant 0 : i32
    %dma_start3A_392 = tpu.memref_slice %arg2[%dma_start3A_390, %dma_start3A_391] : memref<1000000x32xf32, #tpu.memory_space<hbm>> -> memref<1000000x32xf32, #tpu.memory_space<hbm>>
    tpu.enqueue_indirect_dma source(%dma_start3A_392 : memref<1000000x32xf32, #tpu.memory_space<hbm>>) target(%arg8 : memref<1280x32xf32, #tpu.memory_space<vmem>>) offsets(%arg5 : memref<1280xi32, #tpu.memory_space<vmem>>) semaphore(%arg14 : memref<!tpu.dma_semaphore, #tpu.memory_space<semaphore_mem>>)
    %dma_wait3A_393 = arith.constant 0 : i32
    %dma_wait3A_394 = arith.constant 0 : i32
    %dma_wait3A_395 = tpu.memref_slice %arg2[%dma_wait3A_393, %dma_wait3A_394] : memref<1000000x32xf32, #tpu.memory_space<hbm>> -> memref<1000000x32xf32, #tpu.memory_space<hbm>>
    tpu.wait_indirect_dma semaphore(%arg16 : memref<!tpu.dma_semaphore, #tpu.memory_space<semaphore_mem>>) src(%dma_wait3A_395 : memref<1000000x32xf32, #tpu.memory_space<hbm>>) dst(%arg10 : memref<1280x32xf32, #tpu.memory_space<vmem>>)
    %add3A_396 = arith.constant 21760 : i32
    %add3A_397 = arith.addi %mul3A_2, %add3A_396 : i32
    %dma_start3A_398 = arith.constant 0 : i32
    %dma_start3A_399 = tpu.memref_slice %arg4[%add3A_397, %dma_start3A_398] : memref<819200x32xf32, #tpu.memory_space<hbm>> -> memref<1280x32xf32, #tpu.memory_space<hbm>>
    %dma_start3A_400 = arith.constant 0 : i32
    %dma_start3A_401 = tpu.memref_slice %arg4[%add3A_397, %dma_start3A_400] : memref<819200x32xf32, #tpu.memory_space<hbm>> -> memref<1280x32xf32, #tpu.memory_space<hbm>>
    tpu.enqueue_dma source(%arg10 : memref<1280x32xf32, #tpu.memory_space<vmem>>) target(%dma_start3A_401 : memref<1280x32xf32, #tpu.memory_space<hbm>>) target_semaphore(%arg19 : memref<!tpu.dma_semaphore, #tpu.memory_space<semaphore_mem>>)
    %dma_wait3A_402 = arith.constant 0 : i32
    %dma_wait3A_403 = tpu.memref_slice %arg4[%add3A_375, %dma_wait3A_402] : memref<819200x32xf32, #tpu.memory_space<hbm>> -> memref<1280x32xf32, #tpu.memory_space<hbm>>
    %dma_wait3A_404 = arith.constant 0 : i32
    %dma_wait3A_405 = tpu.memref_slice %arg4[%add3A_375, %dma_wait3A_404] : memref<819200x32xf32, #tpu.memory_space<hbm>> -> memref<1280x32xf32, #tpu.memory_space<hbm>>
    tpu.wait_dma2 semaphore(%arg18 : memref<!tpu.dma_semaphore, #tpu.memory_space<semaphore_mem>>) src(%arg9 : memref<1280x32xf32, #tpu.memory_space<vmem>>) dst(%dma_wait3A_405 : memref<1280x32xf32, #tpu.memory_space<hbm>>)
    %dma_wait3A_406 = tpu.memref_slice %arg3[%add3A_381] : memref<819200xi32, #tpu.memory_space<hbm>> -> memref<1280xi32, #tpu.memory_space<hbm>>
    %dma_wait3A_407 = tpu.memref_slice %arg3[%add3A_381] : memref<819200xi32, #tpu.memory_space<hbm>> -> memref<1280xi32, #tpu.memory_space<hbm>>
    tpu.wait_dma2 semaphore(%arg12 : memref<!tpu.dma_semaphore, #tpu.memory_space<semaphore_mem>>) src(%dma_wait3A_407 : memref<1280xi32, #tpu.memory_space<hbm>>) dst(%arg6 : memref<1280xi32, #tpu.memory_space<vmem>>)
    %dma_start3A_408 = arith.constant 0 : i32
    %dma_start3A_409 = arith.constant 0 : i32
    %dma_start3A_410 = tpu.memref_slice %arg2[%dma_start3A_408, %dma_start3A_409] : memref<1000000x32xf32, #tpu.memory_space<hbm>> -> memref<1000000x32xf32, #tpu.memory_space<hbm>>
    tpu.enqueue_indirect_dma source(%dma_start3A_410 : memref<1000000x32xf32, #tpu.memory_space<hbm>>) target(%arg9 : memref<1280x32xf32, #tpu.memory_space<vmem>>) offsets(%arg6 : memref<1280xi32, #tpu.memory_space<vmem>>) semaphore(%arg15 : memref<!tpu.dma_semaphore, #tpu.memory_space<semaphore_mem>>)
    %dma_wait3A_411 = arith.constant 0 : i32
    %dma_wait3A_412 = arith.constant 0 : i32
    %dma_wait3A_413 = tpu.memref_slice %arg2[%dma_wait3A_411, %dma_wait3A_412] : memref<1000000x32xf32, #tpu.memory_space<hbm>> -> memref<1000000x32xf32, #tpu.memory_space<hbm>>
    tpu.wait_indirect_dma semaphore(%arg14 : memref<!tpu.dma_semaphore, #tpu.memory_space<semaphore_mem>>) src(%dma_wait3A_413 : memref<1000000x32xf32, #tpu.memory_space<hbm>>) dst(%arg8 : memref<1280x32xf32, #tpu.memory_space<vmem>>)
    %add3A_414 = arith.constant 23040 : i32
    %add3A_415 = arith.addi %mul3A_2, %add3A_414 : i32
    %dma_start3A_416 = arith.constant 0 : i32
    %dma_start3A_417 = tpu.memref_slice %arg4[%add3A_415, %dma_start3A_416] : memref<819200x32xf32, #tpu.memory_space<hbm>> -> memref<1280x32xf32, #tpu.memory_space<hbm>>
    %dma_start3A_418 = arith.constant 0 : i32
    %dma_start3A_419 = tpu.memref_slice %arg4[%add3A_415, %dma_start3A_418] : memref<819200x32xf32, #tpu.memory_space<hbm>> -> memref<1280x32xf32, #tpu.memory_space<hbm>>
    tpu.enqueue_dma source(%arg8 : memref<1280x32xf32, #tpu.memory_space<vmem>>) target(%dma_start3A_419 : memref<1280x32xf32, #tpu.memory_space<hbm>>) target_semaphore(%arg17 : memref<!tpu.dma_semaphore, #tpu.memory_space<semaphore_mem>>)
    %dma_wait3A_420 = arith.constant 0 : i32
    %dma_wait3A_421 = arith.constant 0 : i32
    %dma_wait3A_422 = tpu.memref_slice %arg2[%dma_wait3A_420, %dma_wait3A_421] : memref<1000000x32xf32, #tpu.memory_space<hbm>> -> memref<1000000x32xf32, #tpu.memory_space<hbm>>
    tpu.wait_indirect_dma semaphore(%arg15 : memref<!tpu.dma_semaphore, #tpu.memory_space<semaphore_mem>>) src(%dma_wait3A_422 : memref<1000000x32xf32, #tpu.memory_space<hbm>>) dst(%arg9 : memref<1280x32xf32, #tpu.memory_space<vmem>>)
    %add3A_423 = arith.constant 24320 : i32
    %add3A_424 = arith.addi %mul3A_2, %add3A_423 : i32
    %dma_start3A_425 = arith.constant 0 : i32
    %dma_start3A_426 = tpu.memref_slice %arg4[%add3A_424, %dma_start3A_425] : memref<819200x32xf32, #tpu.memory_space<hbm>> -> memref<1280x32xf32, #tpu.memory_space<hbm>>
    %dma_start3A_427 = arith.constant 0 : i32
    %dma_start3A_428 = tpu.memref_slice %arg4[%add3A_424, %dma_start3A_427] : memref<819200x32xf32, #tpu.memory_space<hbm>> -> memref<1280x32xf32, #tpu.memory_space<hbm>>
    tpu.enqueue_dma source(%arg9 : memref<1280x32xf32, #tpu.memory_space<vmem>>) target(%dma_start3A_428 : memref<1280x32xf32, #tpu.memory_space<hbm>>) target_semaphore(%arg18 : memref<!tpu.dma_semaphore, #tpu.memory_space<semaphore_mem>>)
    %dma_wait3A_429 = arith.constant 0 : i32
    %dma_wait3A_430 = tpu.memref_slice %arg4[%add3A_397, %dma_wait3A_429] : memref<819200x32xf32, #tpu.memory_space<hbm>> -> memref<1280x32xf32, #tpu.memory_space<hbm>>
    %dma_wait3A_431 = arith.constant 0 : i32
    %dma_wait3A_432 = tpu.memref_slice %arg4[%add3A_397, %dma_wait3A_431] : memref<819200x32xf32, #tpu.memory_space<hbm>> -> memref<1280x32xf32, #tpu.memory_space<hbm>>
    tpu.wait_dma2 semaphore(%arg19 : memref<!tpu.dma_semaphore, #tpu.memory_space<semaphore_mem>>) src(%arg10 : memref<1280x32xf32, #tpu.memory_space<vmem>>) dst(%dma_wait3A_432 : memref<1280x32xf32, #tpu.memory_space<hbm>>)
    %dma_wait3A_433 = arith.constant 0 : i32
    %dma_wait3A_434 = tpu.memref_slice %arg4[%add3A_415, %dma_wait3A_433] : memref<819200x32xf32, #tpu.memory_space<hbm>> -> memref<1280x32xf32, #tpu.memory_space<hbm>>
    %dma_wait3A_435 = arith.constant 0 : i32
    %dma_wait3A_436 = tpu.memref_slice %arg4[%add3A_415, %dma_wait3A_435] : memref<819200x32xf32, #tpu.memory_space<hbm>> -> memref<1280x32xf32, #tpu.memory_space<hbm>>
    tpu.wait_dma2 semaphore(%arg17 : memref<!tpu.dma_semaphore, #tpu.memory_space<semaphore_mem>>) src(%arg8 : memref<1280x32xf32, #tpu.memory_space<vmem>>) dst(%dma_wait3A_436 : memref<1280x32xf32, #tpu.memory_space<hbm>>)
    %dma_wait3A_437 = arith.constant 0 : i32
    %dma_wait3A_438 = tpu.memref_slice %arg4[%add3A_424, %dma_wait3A_437] : memref<819200x32xf32, #tpu.memory_space<hbm>> -> memref<1280x32xf32, #tpu.memory_space<hbm>>
    %dma_wait3A_439 = arith.constant 0 : i32
    %dma_wait3A_440 = tpu.memref_slice %arg4[%add3A_424, %dma_wait3A_439] : memref<819200x32xf32, #tpu.memory_space<hbm>> -> memref<1280x32xf32, #tpu.memory_space<hbm>>
    tpu.wait_dma2 semaphore(%arg18 : memref<!tpu.dma_semaphore, #tpu.memory_space<semaphore_mem>>) src(%arg9 : memref<1280x32xf32, #tpu.memory_space<vmem>>) dst(%dma_wait3A_440 : memref<1280x32xf32, #tpu.memory_space<hbm>>)
    return
  }
}

</mosaic_0001>

<sc_bundles>
// kernel: kernel.3.cloned.1.call-start
scs
__scs_entry_jumppad:
0x0: {  	(pc) =	sbr.rel $0x88, $3  }
0x1: {  	(tag) =	ssettag $0x0;
	lr =	simm.s32 $0x1  }
0x2: {  	[smem:$0x3F9F] =	sst lr;
	_ =	strace $0xD0000000  }
0x3: {  	_ = 	snop  }
0x4: {  	_ = 	snop  }
0x5: {  	_ = 	snop  }
0x6: {  	_ = 	snop  }
0x7: {  	_ = 	snop  }
__scs_overlays_trampoline_lowered:
0x8: {  	[smem:$0x3FAE] =	sst s0  }
0x9: {  	[smem:$0x3FAF] =	sst s1  }
0xa: {  	[smem:$0x3FB0] =	sst s2  }
0xb: {  	[smem:$0x3FB1] =	sst s3  }
0xc: {  	[smem:$0x3FB2] =	sst s4  }
0xd: {  	[smem:$0x3FB3] =	sst s5  }
0xe: {  	[smem:$0x3FB4] =	sst s6  }
0xf: {  	[smem:$0x3FB5] =	sst s7  }
0x10: {  	[smem:$0x3FB6] =	sst s8  }
0x11: {  	[smem:$0x3FB7] =	sst s9;
	s0 =	simm.s32 @!p0 $0x0  }
0x12: {  	s1 =	sld [smem:$0x3F9D];
	s0 =	simm.s32 @p0 $0x1  }
0x13: {  	[smem:$0x3FB8] =	sst s0;
	s0 =	simm.s32 @!p1 $0x0  }
0x14: {  	s2 =	sld [smem:$0x3F9C];
	s0 =	simm.s32 @p1 $0x1  }
0x15: {  	[smem:$0x3FB9] =	sst s0;
	s0 =	simm.s32 @!p2 $0x0  }
0x16: {  	s3 =	sld [smem:$0x3FDB];
	s0 =	simm.s32 @p2 $0x1  }
0x17: {  	s4 =	simm.s32 $0x1BF5;
	[smem:$0x3FBB] =	sst s0  }
0x18: {  	s0 =	sld [smem:$0x3F9E];
	_ =	swait.ge [sflag:s4], $0x0  }
0x19: {  	s7 =	sld [smem:$0x3F9F]  }
0x1a: {  	s8 =	sadd.s32 $0xFFFFE003, lr  }
0x1b: {  	s9 =	sadd.s32 $0xFFFFFEF7, lr;
	s5 =	simm.s32 $0xFFFFFFFF;
	p2 =	slt.u32 s8, $0xFFFFF086  }
0x1c: {  	p1 =	slt.u32 s9, $0xF7A;
	s5 =	simm.s32 @!p2 $0x0  }
0x1d: {  	s5 =	simm.s32 @p1 $0x1;
	p0 =	seq.s32 s7, s2  }
0x1e: {  	s7 =	smul.u32 @!p0 $0xF7A, s2;
	p2 =	seq.s32 @!p0 s5, $0x0  }
0x1f: {  	s9 =	smul.u32 $0xF7A, s1;
	s8 =	simm.s32 @!p0 $0x1BF5;
	p2 =	por !p2, p0  }
0x20: {  	[sflag:s8] =	ssyncset.s32 @!p0 $0xFFFFF086;
	s6 =	sadd.s32 @!p0 s3, s7;
	s7 =	simm.s32 @!p0 $0x108  }
0x21: {  	s3 =	sadd.s32 s3, s9;
	s6 =	sadd.s32 @!p0 $0x88, s6;
	s7 =	simm.s32 @p2 $0x1082  }
0x22: {  	[simem:s7], [sflag:s8] =	dma.local @!p0 [hbm:s6], $0xF7A  }
0x23: {  	s9 =	sor.u32 $0xD0000000, s2;
	s6 =	simm.s32 $0x108;
	_ =	swait.ge @!p0 [sflag:s8], $0x0  }
0x24: {  	s3 =	sadd.s32 $0x88, s3;
	s6 =	simm.s32 @!p1 $0x1082;
	[sflag:s4] =	ssyncset.s32 $0xFFFFF086  }
0x25: {  	[simem:s6], [sflag:s4] =	dma.local [hbm:s3], $0xF7A  }
0x26: {  	[smem:$0x3F9F] =	sst s1;
	(tag) =	ssettag s2;
	_ =	strace s9  }
0x27: {  	s1 =	sld [smem:$0x3FAF]  }
0x28: {  	s2 =	sld [smem:$0x3FB0]  }
0x29: {  	s4 =	sld [smem:$0x3FB2]  }
0x2a: {  	p0 =	seq.s32 s5, $0x0;
	s5 =	sld [smem:$0x3FB3]  }
0x2b: {  	s6 =	sld [smem:$0x3FB4]  }
0x2c: {  	s7 =	sld [smem:$0x3FB5]  }
0x2d: {  	s3 =	simm.s32 $0x108;
	s8 =	sld [smem:$0x3FB6]  }
0x2e: {  	s3 =	simm.s32 @!p0 $0x1082;
	s9 =	sld [smem:$0x3FB7]  }
0x2f: {  	lr =	sadd.s32 s0, s3;
	s0 =	sld [smem:$0x3FAE]  }
0x30: {  	s3 =	sld [smem:$0x3FB1]  }
0x31: {  	[smem:$0x3FBA] =	sst s10  }
0x32: {  	s10 =	sld [smem:$0x3FB8];
	_ =	sdelay $0x3  }
0x33: {  	p0 =	seq.s32 s10, $0x1;
	s10 =	sld [smem:$0x3FBA];
	_ =	sdelay $0x3  }
0x34: {  	[smem:$0x3FBA] =	sst s10  }
0x35: {  	s10 =	sld [smem:$0x3FB9];
	_ =	sdelay $0x3  }
0x36: {  	p1 =	seq.s32 s10, $0x1;
	s10 =	sld [smem:$0x3FBA];
	_ =	sdelay $0x3  }
0x37: {  	[smem:$0x3FBA] =	sst s10  }
0x38: {  	s10 =	sld [smem:$0x3FBB]  }
0x39: {  	_ = 	snop;
	(pc) =	sbr.ind lr, $3  }
0x3a: {  	_ = 	snop  }
0x3b: {  	_ = 	snop  }
0x3c: {  	p2 =	seq.s32 s10, $0x1;
	s10 =	sld [smem:$0x3FBA]  }
0x3d: {  	_ =	shalt  }
0x3e: {  	_ =	shalt  }
0x3f: {  	_ =	shalt  }
0x40: {  	_ =	shalt  }
0x41: {  	_ =	shalt  }
0x42: {  	_ =	shalt  }
0x43: {  	_ =	shalt  }
0x44: {  	_ =	shalt  }
0x45: {  	_ =	shalt  }
0x46: {  	_ =	shalt  }
0x47: {  	_ =	shalt  }
0x48: {  	_ =	shalt  }
0x49: {  	_ =	shalt  }
0x4a: {  	_ =	shalt  }
0x4b: {  	_ =	shalt  }
0x4c: {  	_ =	shalt  }
0x4d: {  	_ =	shalt  }
0x4e: {  	_ =	shalt  }
0x4f: {  	_ =	shalt  }
0x50: {  	_ =	shalt  }
0x51: {  	_ =	shalt  }
0x52: {  	_ =	shalt  }
0x53: {  	_ =	shalt  }
0x54: {  	_ =	shalt  }
0x55: {  	_ =	shalt  }
0x56: {  	_ =	shalt  }
0x57: {  	_ =	shalt  }
0x58: {  	_ =	shalt  }
0x59: {  	_ =	shalt  }
0x5a: {  	_ =	shalt  }
0x5b: {  	_ =	shalt  }
0x5c: {  	_ =	shalt  }
0x5d: {  	_ =	shalt  }
0x5e: {  	_ =	shalt  }
0x5f: {  	_ =	shalt  }
0x60: {  	_ =	shalt  }
0x61: {  	_ =	shalt  }
0x62: {  	_ =	shalt  }
0x63: {  	_ =	shalt  }
0x64: {  	_ =	shalt  }
0x65: {  	_ =	shalt  }
0x66: {  	_ =	shalt  }
0x67: {  	_ =	shalt  }
0x68: {  	_ =	shalt  }
0x69: {  	_ =	shalt  }
0x6a: {  	_ =	shalt  }
0x6b: {  	_ =	shalt  }
0x6c: {  	_ =	shalt  }
0x6d: {  	_ =	shalt  }
0x6e: {  	_ =	shalt  }
0x6f: {  	_ =	shalt  }
0x70: {  	_ =	shalt  }
0x71: {  	_ =	shalt  }
0x72: {  	_ =	shalt  }
0x73: {  	_ =	shalt  }
0x74: {  	_ =	shalt  }
0x75: {  	_ =	shalt  }
0x76: {  	_ =	shalt  }
0x77: {  	_ =	shalt  }
0x78: {  	_ =	shalt  }
0x79: {  	_ =	shalt  }
0x7a: {  	_ =	shalt  }
0x7b: {  	_ =	shalt  }
0x7c: {  	_ =	shalt  }
0x7d: {  	_ =	shalt  }
0x7e: {  	_ =	shalt  }
0x7f: {  	_ =	shalt  }
0x80: {  	_ =	shalt  }
0x81: {  	_ =	shalt  }
0x82: {  	_ =	shalt  }
0x83: {  	_ =	shalt  }
0x84: {  	_ =	shalt  }
0x85: {  	_ =	shalt  }
0x86: {  	_ =	shalt  }
0x87: {  	_ =	shalt  }
.Lfunc_end0:
.L_simem_size_0:
called_computation.2_lowered:
.L_overlay_start_0:
0x88: {  	s2 =	sld [smem:$0x3FD9]  }
0x89: {  	s3 =	sld [smem:$0x3FFE];
	_ =	sdelay $0x1  }
0x8a: {  	s1 =	srdreg.scid  }
0x8b: {  	s0 =	sand.u32 $0x1, s1  }
0x8c: {  	s17 =	sshll.u32 s0, $0xA;
	s2 =	sadd.s32 s3, s2  }
0x8d: {  	s2 =	sadd.s32 s2, s17  }
0x8e: {  	[smem:$0x3FC6] =	sst s2  }
0x8f: {  	_ = 	snop  }
0x90: {  	s2 =	sld [smem:$0x3FD0];
	(tm) =	ssettm $0x1  }
0x91: {  	s18 =	sld [smem:$0x3FFB];
	_ =	sdelay $0x3  }
0x92: {  	_ =	strace s18  }
0x93: {  	s3 =	sld [smem:$0x3FFC];
	_ =	sdelay $0x3  }
0x94: {  	_ =	strace s3  }
0x95: {  	s3 =	sld [smem:$0x3FFD];
	_ =	sdelay $0x3  }
0x96: {  	_ =	strace s3  }
0x97: {  	_ =	strace $0x8FFFFFFF  }
0x98: {  	s19 =	sld [smem:$0x3FDB];
	_ =	sdelay $0x1  }
0x99: {  	s4 =	simm.s32 $_scs_section_size  }
0x9a: {  	s5 =	simm.s32 $_size__tile_overlayer_lowered;
	s6 =	simm.s32 $_tile_overlayer_lowered  }
0x9b: {  	s22 =	simm.s32 $0x1BFF;
	s21 =	sshll.u32 s6, $0x1;
	s3 =	sadd.s32 s4, s19  }
0x9c: {  	s7 =	simm.s32 $0x0;
	s20 =	sshll.u32 s5, $0x1;
	s5 =	sadd.s32 s21, s3  }
0x9d: {  	[timem:s7], [sflag:s22] =	dma.local [hbm:s5], s20  }
0x9e: {  	_ =	swait.ge [sflag:s22], s20  }
0x9f: {  	s4 =	ssub.s32 $0x0, s20;
	[sflag:s22] =	ssyncset.done $0x0  }
0xa0: {  	[sflag:s22] =	ssyncadd.s32 s4;
	_ =	sdelay $0x1  }
0xa1: {  	s23 =	simm.s32 $0x1B8B  }
0xa2: {  	_ =	swait.ge [sflag:s23], $0x1  }
0xa3: {  	[sflag:s23] =	ssyncset.done $0x0  }
0xa4: {  	s25 =	simm.s32 $0x1B8E;
	s24 =	sld [smem:$0x3FFE];
	[sflag:s23] =	ssyncadd.s32 $0xFFFFFFFF  }
0xa5: {  	s26 =	simm.s32 $execute0_lowered;
	[smem:$0x3FD2] =	sst s25  }
0xa6: {  	s5 =	sshll.u32 s26, $0x1;
	_ =	strace $0x80000046;
	[dreg:$0x1] =	wrdreg $0xFFFFFFFF  }
0xa7: {  	s28 =	simm.s32 $_size_execute0_lowered;
	s3 =	sadd.s32 s3, s5;
	[dreg:$0x0] =	wrdreg $0x0  }
0xa8: {  	s5 =	sshll.u32 s28, $0x1;
	[dreg:$0x2] =	wrdreg s3  }
0xa9: {  	[dreg:$0x3] =	wrdreg s5  }
0xaa: {  	[dreg:$0x4] =	wrdreg $0xC0  }
0xab: {  	_ =	task [dreg:s7], $0x5FFFF  }
0xac: {  	[dreg:$0x1] =	wrdreg $0xFFFFFFFF  }
0xad: {  	[dreg:$0x0] =	wrdreg $0x60  }
0xae: {  	[dreg:$0x2] =	wrdreg s24  }
0xaf: {  	[dreg:$0x3] =	wrdreg s2  }
0xb0: {  	[dreg:$0x4] =	wrdreg $0x9  }
0xb1: {  	_ =	task.clear_ibuf [dreg:s7], $0x5FFFF;
	_ =	strace $0x90000046  }
0xb2: {  	s29 =	simm.s32 $0x9;
	_ =	strace $0x80000048  }
0xb3: {  	_ =	swait.ge [sflag:s29], $0x1  }
0xb4: {  	[sflag:s29] =	ssyncadd.s32 $0xFFFFFFFF  }
0xb5: {  	_ =	strace $0x90000048  }
0xb6: {  	_ =	sfence  }
0xb7: {  	s30 =	sld [smem:$0x0];
	_ =	sdelay $0x2  }
0xb8: {  	s31 =	sshll.u32 s1, $0xD;
	s1 =	sshrl.u32 s1, $0x2  }
0xb9: {  	s3 =	sand.u32 $0x4000, s31;
	s1 =	sadd.s32 s1, s30  }
0xba: {  	s0 =	sor.u32 s3, s0;
	s1 =	sshll.u32 s1, $0x11  }
0xbb: {  	s0 =	sor.u32 s1, s0  }
0xbc: {  	s0 =	sadd.s32 $0x8F2B, s0  }
0xbd: {  	[sflag:s0] =	ssyncadd.remote.s32 $0x1  }
0xbe: {  	_ =	sfence.sel $0xFFFF  }
0xbf: {  	[dreg:$0x0] =	wrdreg $0xFFFFFFFF;
	(pc) =	sbr.abs _section_cstart, $3  }
0xc0: {  	[dreg:$0x1] =	wrdreg $0xFFFFFFFF  }
0xc1: {  	_ =	task.clear_ibuf [dreg:s7], $0x2FFFF;
	_ =	strace $0x9FFFFFFF  }
0xc2: {  	(tm) =	ssettm $0x7FFFFFFF  }
0xc3: {  	_ =	shalt  }
tec
execute0_lowered:
.L_overlay_start_1:
0x0: {  	(tag) =	ssettag $0x1  }
0x1: {  	s0 =	srdreg.scid  }
0x2: {  	s1 =	stileid.u32;
	s3 =	rddreg [dreg:$0x0]  }
0x3: {  	s2 =	simm.s32 $0x0;
	s6 =	sand.u32 $0x1, s0;
	s19 =	sshll.u32 s1, $0x1  }
0x4: {  	s28 =	simm.s32 $0x3;
	s1 =	rddreg [dreg:$0x1];
	s0 =	sor.u32 s6, s19  }
0x5: {  	p0 =	por $0x0, $0x0;
	[smem:$0x7FF] =	sst s2;
	s5 =	smul.u32 $0x6400, s0  }
0x6: {  	s4 =	sadd.s32 $0xE00, s3;
	s3 =	sadd.s32 $0xF43200, s3;
	s0 =	smul.u32 $0x19000, s0  }
0x7: {  	_ =	strace $0x80000047;
	s6 =	ssub.s32 $0x2, s6;
	s7 =	sshrl.u32 s5, $0x3  }
0x8: {  	s8 =	sadd.s32 $0x500, s5;
	s9 =	sadd.s32 $0xA00, s5;
	s0 =	sadd.s32 s1, s0  }
0x9: {  	s22 =	sadd.s32 $0xF00, s5;
	s24 =	sadd.s32 $0x1400, s5;
	s14 =	sadd.s32 $0x1900, s5  }
0xa: {  	s16 =	sadd.s32 $0x1E00, s5;
	s7 =	sadd.s32 s4, s7;
	s20 =	sshrl.u32 s8, $0x3  }
0xb: {  	s10 =	sshrl.u32 s9, $0x3;
	[dreg:$0x6] =	wrdreg s0;
	s23 =	sshrl.u32 s22, $0x3  }
0xc: {  	s8 =	sshll.u32 s8, $0x2;
	s26 =	sshrl.u32 s24, $0x3;
	s12 =	sshll.u32 s9, $0x2  }
0xd: {  	s15 =	sshrl.u32 s14, $0x3;
	s18 =	sshrl.u32 s16, $0x3;
	s9 =	simm.s32 $0x7  }
0xe: {  	[dreg:$0x3] =	wrdreg s7;
	s7 =	sadd.s32 s4, s20;
	s21 =	sadd.s32 s4, s10  }
0xf: {  	s0 =	sadd.s32 s4, s23;
	s25 =	sadd.s32 s1, s8;
	[dreg:$0x4] =	wrdreg s7  }
0x10: {  	s11 =	sadd.s32 s4, s26;
	s13 =	sadd.s32 s1, s12;
	[dreg:$0x5] =	wrdreg s21  }
0x11: {  	s19 =	sadd.s32 s4, s18;
	s20 =	sshll.u32 s24, $0x2;
	[dreg:$0x7] =	wrdreg s0  }
0x12: {  	s8 =	sshll.u32 s14, $0x2;
	s24 =	sadd.s32 $0x2800, s5;
	[dreg:$0x8] =	wrdreg s25  }
0x13: {  	s12 =	sshll.u32 s16, $0x2;
	s14 =	sadd.s32 $0x2D00, s5;
	[dreg:$0x9] =	wrdreg s11  }
0x14: {  	s16 =	sadd.s32 $0x3200, s5;
	s10 =	simm.s32 $0x500;
	[dreg:$0xa] =	wrdreg s13  }
0x15: {  	s0 =	sadd.s32 s4, s15;
	s7 =	sshll.u32 s22, $0x2;
	[dreg:$0xd] =	wrdreg s19  }
0x16: {  	s21 =	sadd.s32 s1, s20;
	s22 =	sadd.s32 $0x2300, s5;
	s25 =	sadd.s32 s1, s8  }
0x17: {  	s26 =	sshrl.u32 s24, $0x3;
	s13 =	sadd.s32 s1, s12;
	s15 =	sshrl.u32 s14, $0x3  }
0x18: {  	s18 =	sshrl.u32 s16, $0x3;
	s20 =	sshll.u32 s24, $0x2;
	[dreg:$0xb] =	wrdreg s0  }
0x19: {  	s8 =	sshll.u32 s14, $0x2;
	s24 =	sadd.s32 $0x3C00, s5;
	[dreg:$0xe] =	wrdreg s21  }
0x1a: {  	s14 =	sshrl.u32 s6, $0x1;
	s17 =	sadd.s32 s1, s7;
	[dreg:$0x10] =	wrdreg s25  }
0x1b: {  	s23 =	sshrl.u32 s22, $0x3;
	s11 =	sadd.s32 s4, s26;
	[dreg:$0x12] =	wrdreg s13  }
0x1c: {  	s7 =	sshll.u32 s22, $0x2;
	s19 =	sadd.s32 s4, s18;
	s21 =	sadd.s32 s1, s20  }
0x1d: {  	s22 =	sadd.s32 $0x3700, s5;
	s25 =	sadd.s32 s1, s8;
	[dreg:$0xc] =	wrdreg s17  }
0x1e: {  	s26 =	sshrl.u32 s24, $0x3;
	s13 =	sadd.s32 $0x4100, s5;
	[dreg:$0x11] =	wrdreg s11  }
0x1f: {  	s6 =	ssub.s32 s6, s14;
	s20 =	sadd.s32 $0x4B00, s5;
	[dreg:$0x15] =	wrdreg s19  }
0x20: {  	s0 =	sadd.s32 s4, s23;
	s17 =	sadd.s32 s1, s7;
	[dreg:$0x16] =	wrdreg s21  }
0x21: {  	s23 =	sshrl.u32 s22, $0x3;
	[dreg:$0x18] =	wrdreg s25;
	s8 =	sadd.s32 s4, s26  }
0x22: {  	s11 =	sshll.u32 s16, $0x2;
	s7 =	sshll.u32 s22, $0x2;
	s19 =	sshll.u32 s24, $0x2  }
0x23: {  	s21 =	sshrl.u32 s20, $0x3;
	s22 =	sadd.s32 $0x5000, s5;
	[dreg:$0xf] =	wrdreg s0  }
0x24: {  	s25 =	sadd.s32 $0x5500, s5;
	s0 =	sadd.s32 s4, s15;
	[dreg:$0x14] =	wrdreg s17  }
0x25: {  	[dreg:$0x19] =	wrdreg s8;
	s12 =	sadd.s32 s1, s11;
	s15 =	sshrl.u32 s13, $0x3  }
0x26: {  	s11 =	sadd.s32 $0x4600, s5;
	s16 =	sadd.s32 s1, s7;
	s30 =	sadd.s32 s1, s19  }
0x27: {  	s8 =	sshll.u32 s13, $0x2;
	s31 =	sadd.s32 s4, s21;
	[dreg:$0x13] =	wrdreg s0  }
0x28: {  	s7 =	sshll.u32 s20, $0x2;
	s0 =	sadd.s32 s4, s23;
	[dreg:$0x1a] =	wrdreg s12  }
0x29: {  	s17 =	sshrl.u32 s11, $0x3;
	[dreg:$0x1c] =	wrdreg s16;
	s26 =	sadd.s32 s1, s8  }
0x2a: {  	s23 =	sshrl.u32 s22, $0x3;
	s24 =	sshll.u32 s11, $0x2;
	s11 =	sshrl.u32 s25, $0x3  }
0x2b: {  	s12 =	sadd.s32 $0x5A00, s5;
	s19 =	sadd.s32 s1, s7;
	s5 =	sadd.s32 $0x5F00, s5  }
0x2c: {  	s8 =	simm.s32 $0xF00;
	s7 =	simm.s32 $0x8;
	[dreg:$0x17] =	wrdreg s0  }
0x2d: {  	s0 =	sadd.s32 s4, s15;
	s18 =	sadd.s32 s4, s17;
	s29 =	sadd.s32 s4, s23  }
0x2e: {  	s23 =	sadd.s32 s1, s24;
	s24 =	sadd.s32 s4, s11;
	s13 =	sshrl.u32 s12, $0x3  }
0x2f: {  	s14 =	sshrl.u32 s5, $0x3;
	s15 =	sshll.u32 s25, $0x2;
	[dreg:$0x1b] =	wrdreg s0  }
0x30: {  	s21 =	sshll.u32 s5, $0x2;
	s25 =	simm.s32 $0xA00;
	[dreg:$0x1d] =	wrdreg s18  }
0x31: {  	s20 =	sadd.s32 s4, s13;
	s0 =	sshll.u32 s22, $0x2;
	s22 =	smax.u32 s6, $0x1  }
0x32: {  	s17 =	sadd.s32 s4, s14;
	s11 =	sadd.s32 s1, s15;
	p1 =	sne.s32 s22, $0x1  }
.Ltmp0:
0x33: {  	s18 =	sshll.u32 s12, $0x2;
	s4 =	sadd.s32 s1, s21;
	(pc) =	sbr.rel @!p1 .LBB2_3-.Ltmp0, $4  }
0x34: {  	s13 =	simm.s32 $0x2;
	s6 =	simm.s32 $0xAF00;
	s12 =	simm.s32 $0x4  }
0x35: {  	s21 =	simm.s32 $0x14F00;
	s14 =	simm.s32 $0x5;
	s15 =	simm.s32 $0x9  }
0x36: {  	s16 =	sadd.s32 s1, s0;
	s5 =	sadd.s32 s1, s18;
	s18 =	simm.s32 $0x1  }
0x37: {  	s1 =	sadd.s32 $0xFFFFFFFF, s22;
	s22 =	simm.s32 $0x6;
	s0 =	rddreg [dreg:$0x3]  }
0x38: {  	[dreg:$0x1f] =	wrdreg s1  }
0x39: {  	[tilespmem:s2], [sflag:$0x1] =	stream.linear.gather [hbm4b:s0+s2], $0x500, $0x38;
	[tilespmem:$0x1EF00] =	vst v63  }
0x3a: {  	s1 =	rddreg [dreg:$0x4]  }
0x3b: {  	[tilespmem:s10], [sflag:$0x2] =	stream.linear.gather [hbm4b:s1+s2], $0x500, $0x38;
	[tilespmem:$0x1EF00] =	vst v63  }
0x3c: {  	s0 =	rddreg [dreg:$0x5]  }
0x3d: {  	[tilespmem:s25], [sflag:$0x3] =	stream.linear.gather [hbm4b:s0+s2], $0x500, $0x38;
	[tilespmem:$0x1EF00] =	vst v63  }
0x3e: {  	_ =	swait.ge [sflag:s18], $0x500  }
0x3f: {  	[sflag:s18] =	ssyncset.done $0x0  }
0x40: {  	[sflag:s18] =	ssyncadd.s32 $0xFFFFFB00  }
0x41: {  	[tilespmem:s8], [sflag:$0x4] =	stream.indirect.gather [hbm4b:s3+s10], $0x20, s2, s10, $0xb8;
	[tilespmem:$0x1EF00] =	vst v63  }
0x42: {  	_ =	swait.ge [sflag:s13], $0x500  }
0x43: {  	[sflag:s13] =	ssyncset.done $0x0  }
0x44: {  	[sflag:s13] =	ssyncadd.s32 $0xFFFFFB00  }
0x45: {  	[tilespmem:s6], [sflag:$0x5] =	stream.indirect.gather [hbm4b:s3+s10], $0x20, s10, s10, $0xb8;
	[tilespmem:$0x1EF00] =	vst v63  }
0x46: {  	_ =	swait.ge [sflag:s12], $0xA000  }
0x47: {  	[sflag:s12] =	ssyncset.done $0x0  }
0x48: {  	s0 =	rddreg [dreg:$0x6];
	[sflag:s12] =	ssyncadd.s32 $0xFFFF6000  }
0x49: {  	[hbm4b:s0+s2] =	stream.linear.scatter [tilespmem:s8], [sflag:$0x7], $0xA000, $0x38;
	[tilespmem:$0x1EF00] =	vst v63  }
0x4a: {  	s1 =	rddreg [dreg:$0x7]  }
0x4b: {  	[tilespmem:s2], [sflag:$0x1] =	stream.linear.gather [hbm4b:s1+s2], $0x500, $0x38;
	[tilespmem:$0x1EF00] =	vst v63  }
0x4c: {  	_ =	swait.ge [sflag:s28], $0x500  }
0x4d: {  	[sflag:s28] =	ssyncset.done $0x0  }
0x4e: {  	[sflag:s28] =	ssyncadd.s32 $0xFFFFFB00  }
0x4f: {  	[tilespmem:s21], [sflag:$0x6] =	stream.indirect.gather [hbm4b:s3+s10], $0x20, s25, s10, $0xb8;
	[tilespmem:$0x1EF00] =	vst v63  }
0x50: {  	_ =	swait.ge [sflag:s14], $0xA000  }
0x51: {  	[sflag:s14] =	ssyncset.done $0x0  }
0x52: {  	s0 =	rddreg [dreg:$0x8];
	[sflag:s14] =	ssyncadd.s32 $0xFFFF6000  }
0x53: {  	[hbm4b:s0+s2] =	stream.linear.scatter [tilespmem:s6], [sflag:$0x8], $0xA000, $0x38;
	[tilespmem:$0x1EF00] =	vst v63  }
0x54: {  	s1 =	rddreg [dreg:$0x9]  }
0x55: {  	[tilespmem:s10], [sflag:$0x2] =	stream.linear.gather [hbm4b:s1+s2], $0x500, $0x38;
	[tilespmem:$0x1EF00] =	vst v63  }
0x56: {  	_ =	swait.ge [sflag:s9], $0xA000  }
0x57: {  	[sflag:s9] =	ssyncset.done $0x0  }
0x58: {  	[sflag:s9] =	ssyncadd.s32 $0xFFFF6000  }
0x59: {  	_ =	swait.ge [sflag:s18], $0x500  }
0x5a: {  	[sflag:s18] =	ssyncset.done $0x0  }
0x5b: {  	[sflag:s18] =	ssyncadd.s32 $0xFFFFFB00  }
0x5c: {  	[tilespmem:s8], [sflag:$0x4] =	stream.indirect.gather [hbm4b:s3+s10], $0x20, s2, s10, $0xb8;
	[tilespmem:$0x1EF00] =	vst v63  }
0x5d: {  	_ =	swait.ge [sflag:s22], $0xA000  }
0x5e: {  	[sflag:s22] =	ssyncset.done $0x0  }
0x5f: {  	s0 =	rddreg [dreg:$0xa];
	[sflag:s22] =	ssyncadd.s32 $0xFFFF6000  }
0x60: {  	[hbm4b:s0+s2] =	stream.linear.scatter [tilespmem:s21], [sflag:$0x9], $0xA000, $0x38;
	[tilespmem:$0x1EF00] =	vst v63  }
0x61: {  	s1 =	rddreg [dreg:$0xb]  }
0x62: {  	[tilespmem:s25], [sflag:$0x3] =	stream.linear.gather [hbm4b:s1+s2], $0x500, $0x38;
	[tilespmem:$0x1EF00] =	vst v63  }
0x63: {  	_ =	swait.ge [sflag:s7], $0xA000  }
0x64: {  	[sflag:s7] =	ssyncset.done $0x0  }
0x65: {  	[sflag:s7] =	ssyncadd.s32 $0xFFFF6000  }
0x66: {  	_ =	swait.ge [sflag:s13], $0x500  }
0x67: {  	[sflag:s13] =	ssyncset.done $0x0  }
0x68: {  	[sflag:s13] =	ssyncadd.s32 $0xFFFFFB00  }
0x69: {  	[tilespmem:s6], [sflag:$0x5] =	stream.indirect.gather [hbm4b:s3+s10], $0x20, s10, s10, $0xb8;
	[tilespmem:$0x1EF00] =	vst v63  }
0x6a: {  	_ =	swait.ge [sflag:s12], $0xA000  }
0x6b: {  	[sflag:s12] =	ssyncset.done $0x0  }
0x6c: {  	s0 =	rddreg [dreg:$0xc];
	[sflag:s12] =	ssyncadd.s32 $0xFFFF6000  }
0x6d: {  	[hbm4b:s0+s2] =	stream.linear.scatter [tilespmem:s8], [sflag:$0x7], $0xA000, $0x38;
	[tilespmem:$0x1EF00] =	vst v63  }
0x6e: {  	s1 =	rddreg [dreg:$0xd]  }
0x6f: {  	[tilespmem:s2], [sflag:$0x1] =	stream.linear.gather [hbm4b:s1+s2], $0x500, $0x38;
	[tilespmem:$0x1EF00] =	vst v63  }
0x70: {  	_ =	swait.ge [sflag:s15], $0xA000  }
0x71: {  	[sflag:s15] =	ssyncset.done $0x0  }
0x72: {  	[sflag:s15] =	ssyncadd.s32 $0xFFFF6000  }
0x73: {  	_ =	swait.ge [sflag:s28], $0x500  }
0x74: {  	[sflag:s28] =	ssyncset.done $0x0  }
0x75: {  	[sflag:s28] =	ssyncadd.s32 $0xFFFFFB00  }
0x76: {  	[tilespmem:s21], [sflag:$0x6] =	stream.indirect.gather [hbm4b:s3+s10], $0x20, s25, s10, $0xb8;
	[tilespmem:$0x1EF00] =	vst v63  }
0x77: {  	_ =	swait.ge [sflag:s14], $0xA000  }
0x78: {  	[sflag:s14] =	ssyncset.done $0x0  }
0x79: {  	s0 =	rddreg [dreg:$0xe];
	[sflag:s14] =	ssyncadd.s32 $0xFFFF6000  }
0x7a: {  	[hbm4b:s0+s2] =	stream.linear.scatter [tilespmem:s6], [sflag:$0x8], $0xA000, $0x38;
	[tilespmem:$0x1EF00] =	vst v63  }
0x7b: {  	s1 =	rddreg [dreg:$0xf]  }
0x7c: {  	[tilespmem:s10], [sflag:$0x2] =	stream.linear.gather [hbm4b:s1+s2], $0x500, $0x38;
	[tilespmem:$0x1EF00] =	vst v63  }
0x7d: {  	_ =	swait.ge [sflag:s9], $0xA000  }
0x7e: {  	[sflag:s9] =	ssyncset.done $0x0  }
0x7f: {  	[sflag:s9] =	ssyncadd.s32 $0xFFFF6000  }
0x80: {  	_ =	swait.ge [sflag:s18], $0x500  }
0x81: {  	[sflag:s18] =	ssyncset.done $0x0  }
0x82: {  	[sflag:s18] =	ssyncadd.s32 $0xFFFFFB00  }
0x83: {  	[tilespmem:s8], [sflag:$0x4] =	stream.indirect.gather [hbm4b:s3+s10], $0x20, s2, s10, $0xb8;
	[tilespmem:$0x1EF00] =	vst v63  }
0x84: {  	_ =	swait.ge [sflag:s22], $0xA000  }
0x85: {  	[sflag:s22] =	ssyncset.done $0x0  }
0x86: {  	s0 =	rddreg [dreg:$0x10];
	[sflag:s22] =	ssyncadd.s32 $0xFFFF6000  }
0x87: {  	[hbm4b:s0+s2] =	stream.linear.scatter [tilespmem:s21], [sflag:$0x9], $0xA000, $0x38;
	[tilespmem:$0x1EF00] =	vst v63  }
0x88: {  	s1 =	rddreg [dreg:$0x11]  }
0x89: {  	[tilespmem:s25], [sflag:$0x3] =	stream.linear.gather [hbm4b:s1+s2], $0x500, $0x38;
	[tilespmem:$0x1EF00] =	vst v63  }
0x8a: {  	_ =	swait.ge [sflag:s7], $0xA000  }
0x8b: {  	[sflag:s7] =	ssyncset.done $0x0  }
0x8c: {  	[sflag:s7] =	ssyncadd.s32 $0xFFFF6000  }
0x8d: {  	_ =	swait.ge [sflag:s13], $0x500  }
0x8e: {  	[sflag:s13] =	ssyncset.done $0x0  }
0x8f: {  	[sflag:s13] =	ssyncadd.s32 $0xFFFFFB00  }
0x90: {  	[tilespmem:s6], [sflag:$0x5] =	stream.indirect.gather [hbm4b:s3+s10], $0x20, s10, s10, $0xb8;
	[tilespmem:$0x1EF00] =	vst v63  }
0x91: {  	_ =	swait.ge [sflag:s12], $0xA000  }
0x92: {  	[sflag:s12] =	ssyncset.done $0x0  }
0x93: {  	s0 =	rddreg [dreg:$0x12];
	[sflag:s12] =	ssyncadd.s32 $0xFFFF6000  }
0x94: {  	[hbm4b:s0+s2] =	stream.linear.scatter [tilespmem:s8], [sflag:$0x7], $0xA000, $0x38;
	[tilespmem:$0x1EF00] =	vst v63  }
0x95: {  	s1 =	rddreg [dreg:$0x13]  }
0x96: {  	[tilespmem:s2], [sflag:$0x1] =	stream.linear.gather [hbm4b:s1+s2], $0x500, $0x38;
	[tilespmem:$0x1EF00] =	vst v63  }
0x97: {  	_ =	swait.ge [sflag:s15], $0xA000  }
0x98: {  	[sflag:s15] =	ssyncset.done $0x0  }
0x99: {  	[sflag:s15] =	ssyncadd.s32 $0xFFFF6000  }
0x9a: {  	_ =	swait.ge [sflag:s28], $0x500  }
0x9b: {  	[sflag:s28] =	ssyncset.done $0x0  }
0x9c: {  	[sflag:s28] =	ssyncadd.s32 $0xFFFFFB00  }
0x9d: {  	[tilespmem:s21], [sflag:$0x6] =	stream.indirect.gather [hbm4b:s3+s10], $0x20, s25, s10, $0xb8;
	[tilespmem:$0x1EF00] =	vst v63  }
0x9e: {  	_ =	swait.ge [sflag:s14], $0xA000  }
0x9f: {  	[sflag:s14] =	ssyncset.done $0x0  }
0xa0: {  	s0 =	rddreg [dreg:$0x14];
	[sflag:s14] =	ssyncadd.s32 $0xFFFF6000  }
0xa1: {  	[hbm4b:s0+s2] =	stream.linear.scatter [tilespmem:s6], [sflag:$0x8], $0xA000, $0x38;
	[tilespmem:$0x1EF00] =	vst v63  }
0xa2: {  	s1 =	rddreg [dreg:$0x15]  }
0xa3: {  	[tilespmem:s10], [sflag:$0x2] =	stream.linear.gather [hbm4b:s1+s2], $0x500, $0x38;
	[tilespmem:$0x1EF00] =	vst v63  }
0xa4: {  	_ =	swait.ge [sflag:s9], $0xA000  }
0xa5: {  	[sflag:s9] =	ssyncset.done $0x0  }
0xa6: {  	[sflag:s9] =	ssyncadd.s32 $0xFFFF6000  }
0xa7: {  	_ =	swait.ge [sflag:s18], $0x500  }
0xa8: {  	[sflag:s18] =	ssyncset.done $0x0  }
0xa9: {  	[sflag:s18] =	ssyncadd.s32 $0xFFFFFB00  }
0xaa: {  	[tilespmem:s8], [sflag:$0x4] =	stream.indirect.gather [hbm4b:s3+s10], $0x20, s2, s10, $0xb8;
	[tilespmem:$0x1EF00] =	vst v63  }
0xab: {  	_ =	swait.ge [sflag:s22], $0xA000  }
0xac: {  	[sflag:s22] =	ssyncset.done $0x0  }
0xad: {  	s0 =	rddreg [dreg:$0x16];
	[sflag:s22] =	ssyncadd.s32 $0xFFFF6000  }
0xae: {  	[hbm4b:s0+s2] =	stream.linear.scatter [tilespmem:s21], [sflag:$0x9], $0xA000, $0x38;
	[tilespmem:$0x1EF00] =	vst v63  }
0xaf: {  	s1 =	rddreg [dreg:$0x17]  }
0xb0: {  	[tilespmem:s25], [sflag:$0x3] =	stream.linear.gather [hbm4b:s1+s2], $0x500, $0x38;
	[tilespmem:$0x1EF00] =	vst v63  }
0xb1: {  	_ =	swait.ge [sflag:s7], $0xA000  }
0xb2: {  	[sflag:s7] =	ssyncset.done $0x0  }
0xb3: {  	[sflag:s7] =	ssyncadd.s32 $0xFFFF6000  }
0xb4: {  	_ =	swait.ge [sflag:s13], $0x500  }
0xb5: {  	[sflag:s13] =	ssyncset.done $0x0  }
0xb6: {  	[sflag:s13] =	ssyncadd.s32 $0xFFFFFB00  }
0xb7: {  	[tilespmem:s6], [sflag:$0x5] =	stream.indirect.gather [hbm4b:s3+s10], $0x20, s10, s10, $0xb8;
	[tilespmem:$0x1EF00] =	vst v63  }
0xb8: {  	_ =	swait.ge [sflag:s12], $0xA000  }
0xb9: {  	[sflag:s12] =	ssyncset.done $0x0  }
0xba: {  	s0 =	rddreg [dreg:$0x18];
	[sflag:s12] =	ssyncadd.s32 $0xFFFF6000  }
0xbb: {  	[hbm4b:s0+s2] =	stream.linear.scatter [tilespmem:s8], [sflag:$0x7], $0xA000, $0x38;
	[tilespmem:$0x1EF00] =	vst v63  }
0xbc: {  	s1 =	rddreg [dreg:$0x19]  }
0xbd: {  	[tilespmem:s2], [sflag:$0x1] =	stream.linear.gather [hbm4b:s1+s2], $0x500, $0x38;
	[tilespmem:$0x1EF00] =	vst v63  }
0xbe: {  	_ =	swait.ge [sflag:s15], $0xA000  }
0xbf: {  	[sflag:s15] =	ssyncset.done $0x0  }
0xc0: {  	[sflag:s15] =	ssyncadd.s32 $0xFFFF6000  }
0xc1: {  	_ =	swait.ge [sflag:s28], $0x500  }
0xc2: {  	[sflag:s28] =	ssyncset.done $0x0  }
0xc3: {  	[sflag:s28] =	ssyncadd.s32 $0xFFFFFB00  }
0xc4: {  	[tilespmem:s21], [sflag:$0x6] =	stream.indirect.gather [hbm4b:s3+s10], $0x20, s25, s10, $0xb8;
	[tilespmem:$0x1EF00] =	vst v63  }
0xc5: {  	_ =	swait.ge [sflag:s14], $0xA000  }
0xc6: {  	[sflag:s14] =	ssyncset.done $0x0  }
0xc7: {  	s0 =	rddreg [dreg:$0x1a];
	[sflag:s14] =	ssyncadd.s32 $0xFFFF6000  }
0xc8: {  	[hbm4b:s0+s2] =	stream.linear.scatter [tilespmem:s6], [sflag:$0x8], $0xA000, $0x38;
	[tilespmem:$0x1EF00] =	vst v63  }
0xc9: {  	s1 =	rddreg [dreg:$0x1b]  }
0xca: {  	[tilespmem:s10], [sflag:$0x2] =	stream.linear.gather [hbm4b:s1+s2], $0x500, $0x38;
	[tilespmem:$0x1EF00] =	vst v63  }
0xcb: {  	_ =	swait.ge [sflag:s9], $0xA000  }
0xcc: {  	[sflag:s9] =	ssyncset.done $0x0  }
0xcd: {  	[sflag:s9] =	ssyncadd.s32 $0xFFFF6000  }
0xce: {  	_ =	swait.ge [sflag:s18], $0x500  }
0xcf: {  	[sflag:s18] =	ssyncset.done $0x0  }
0xd0: {  	[sflag:s18] =	ssyncadd.s32 $0xFFFFFB00  }
0xd1: {  	[tilespmem:s8], [sflag:$0x4] =	stream.indirect.gather [hbm4b:s3+s10], $0x20, s2, s10, $0xb8;
	[tilespmem:$0x1EF00] =	vst v63  }
0xd2: {  	_ =	swait.ge [sflag:s22], $0xA000  }
0xd3: {  	[sflag:s22] =	ssyncset.done $0x0  }
0xd4: {  	s0 =	rddreg [dreg:$0x1c];
	[sflag:s22] =	ssyncadd.s32 $0xFFFF6000  }
0xd5: {  	[hbm4b:s0+s2] =	stream.linear.scatter [tilespmem:s21], [sflag:$0x9], $0xA000, $0x38;
	[tilespmem:$0x1EF00] =	vst v63  }
0xd6: {  	s1 =	rddreg [dreg:$0x1d]  }
0xd7: {  	[tilespmem:s25], [sflag:$0x3] =	stream.linear.gather [hbm4b:s1+s2], $0x500, $0x38;
	[tilespmem:$0x1EF00] =	vst v63  }
0xd8: {  	_ =	swait.ge [sflag:s7], $0xA000  }
0xd9: {  	[sflag:s7] =	ssyncset.done $0x0  }
0xda: {  	[sflag:s7] =	ssyncadd.s32 $0xFFFF6000  }
0xdb: {  	_ =	swait.ge [sflag:s13], $0x500  }
0xdc: {  	[sflag:s13] =	ssyncset.done $0x0  }
0xdd: {  	[sflag:s13] =	ssyncadd.s32 $0xFFFFFB00  }
0xde: {  	[tilespmem:s6], [sflag:$0x5] =	stream.indirect.gather [hbm4b:s3+s10], $0x20, s10, s10, $0xb8;
	[tilespmem:$0x1EF00] =	vst v63  }
0xdf: {  	_ =	swait.ge [sflag:s12], $0xA000  }
0xe0: {  	[sflag:s12] =	ssyncset.done $0x0  }
0xe1: {  	[sflag:s12] =	ssyncadd.s32 $0xFFFF6000  }
0xe2: {  	[hbm4b:s30+s2] =	stream.linear.scatter [tilespmem:s8], [sflag:$0x7], $0xA000, $0x38;
	[tilespmem:$0x1EF00] =	vst v63  }
0xe3: {  	_ = 	snop  }
0xe4: {  	[tilespmem:s2], [sflag:$0x1] =	stream.linear.gather [hbm4b:s31+s2], $0x500, $0x38;
	[tilespmem:$0x1EF00] =	vst v63  }
0xe5: {  	_ =	swait.ge [sflag:s15], $0xA000  }
0xe6: {  	[sflag:s15] =	ssyncset.done $0x0  }
0xe7: {  	[sflag:s15] =	ssyncadd.s32 $0xFFFF6000  }
0xe8: {  	_ =	swait.ge [sflag:s28], $0x500  }
0xe9: {  	[sflag:s28] =	ssyncset.done $0x0  }
0xea: {  	[sflag:s28] =	ssyncadd.s32 $0xFFFFFB00  }
0xeb: {  	[tilespmem:s21], [sflag:$0x6] =	stream.indirect.gather [hbm4b:s3+s10], $0x20, s25, s10, $0xb8;
	[tilespmem:$0x1EF00] =	vst v63  }
0xec: {  	_ =	swait.ge [sflag:s14], $0xA000  }
0xed: {  	[sflag:s14] =	ssyncset.done $0x0  }
0xee: {  	[sflag:s14] =	ssyncadd.s32 $0xFFFF6000  }
0xef: {  	[hbm4b:s26+s2] =	stream.linear.scatter [tilespmem:s6], [sflag:$0x8], $0xA000, $0x38;
	[tilespmem:$0x1EF00] =	vst v63  }
0xf0: {  	_ = 	snop  }
0xf1: {  	[tilespmem:s10], [sflag:$0x2] =	stream.linear.gather [hbm4b:s29+s2], $0x500, $0x38;
	[tilespmem:$0x1EF00] =	vst v63  }
0xf2: {  	_ =	swait.ge [sflag:s9], $0xA000  }
0xf3: {  	[sflag:s9] =	ssyncset.done $0x0  }
0xf4: {  	[sflag:s9] =	ssyncadd.s32 $0xFFFF6000  }
0xf5: {  	_ =	swait.ge [sflag:s18], $0x500  }
0xf6: {  	[sflag:s18] =	ssyncset.done $0x0  }
0xf7: {  	[sflag:s18] =	ssyncadd.s32 $0xFFFFFB00  }
0xf8: {  	[tilespmem:s8], [sflag:$0x4] =	stream.indirect.gather [hbm4b:s3+s10], $0x20, s2, s10, $0xb8;
	[tilespmem:$0x1EF00] =	vst v63  }
0xf9: {  	_ =	swait.ge [sflag:s22], $0xA000  }
0xfa: {  	[sflag:s22] =	ssyncset.done $0x0  }
0xfb: {  	[sflag:s22] =	ssyncadd.s32 $0xFFFF6000  }
0xfc: {  	[hbm4b:s23+s2] =	stream.linear.scatter [tilespmem:s21], [sflag:$0x9], $0xA000, $0x38;
	[tilespmem:$0x1EF00] =	vst v63  }
0xfd: {  	_ = 	snop  }
0xfe: {  	[tilespmem:s25], [sflag:$0x3] =	stream.linear.gather [hbm4b:s24+s2], $0x500, $0x38;
	[tilespmem:$0x1EF00] =	vst v63  }
0xff: {  	_ =	swait.ge [sflag:s7], $0xA000  }
0x100: {  	[sflag:s7] =	ssyncset.done $0x0  }
0x101: {  	[sflag:s7] =	ssyncadd.s32 $0xFFFF6000  }
0x102: {  	_ =	swait.ge [sflag:s13], $0x500  }
0x103: {  	[sflag:s13] =	ssyncset.done $0x0  }
0x104: {  	[sflag:s13] =	ssyncadd.s32 $0xFFFFFB00  }
0x105: {  	[tilespmem:s6], [sflag:$0x5] =	stream.indirect.gather [hbm4b:s3+s10], $0x20, s10, s10, $0xb8;
	[tilespmem:$0x1EF00] =	vst v63  }
0x106: {  	_ =	swait.ge [sflag:s12], $0xA000  }
0x107: {  	[sflag:s12] =	ssyncset.done $0x0  }
0x108: {  	[sflag:s12] =	ssyncadd.s32 $0xFFFF6000  }
0x109: {  	[hbm4b:s19+s2] =	stream.linear.scatter [tilespmem:s8], [sflag:$0x7], $0xA000, $0x38;
	[tilespmem:$0x1EF00] =	vst v63  }
0x10a: {  	_ = 	snop  }
0x10b: {  	[tilespmem:s2], [sflag:$0x1] =	stream.linear.gather [hbm4b:s20+s2], $0x500, $0x38;
	[tilespmem:$0x1EF00] =	vst v63  }
0x10c: {  	_ =	swait.ge [sflag:s15], $0xA000  }
0x10d: {  	[sflag:s15] =	ssyncset.done $0x0  }
0x10e: {  	[sflag:s15] =	ssyncadd.s32 $0xFFFF6000  }
0x10f: {  	_ =	swait.ge [sflag:s28], $0x500  }
0x110: {  	[sflag:s28] =	ssyncset.done $0x0  }
0x111: {  	[sflag:s28] =	ssyncadd.s32 $0xFFFFFB00  }
0x112: {  	[tilespmem:s21], [sflag:$0x6] =	stream.indirect.gather [hbm4b:s3+s10], $0x20, s25, s10, $0xb8;
	[tilespmem:$0x1EF00] =	vst v63  }
0x113: {  	_ =	swait.ge [sflag:s14], $0xA000  }
0x114: {  	[sflag:s14] =	ssyncset.done $0x0  }
0x115: {  	[sflag:s14] =	ssyncadd.s32 $0xFFFF6000  }
0x116: {  	[hbm4b:s16+s2] =	stream.linear.scatter [tilespmem:s6], [sflag:$0x8], $0xA000, $0x38;
	[tilespmem:$0x1EF00] =	vst v63  }
0x117: {  	_ = 	snop  }
0x118: {  	[tilespmem:s10], [sflag:$0x2] =	stream.linear.gather [hbm4b:s17+s2], $0x500, $0x38;
	[tilespmem:$0x1EF00] =	vst v63  }
0x119: {  	_ =	swait.ge [sflag:s9], $0xA000  }
0x11a: {  	[sflag:s9] =	ssyncset.done $0x0  }
0x11b: {  	[sflag:s9] =	ssyncadd.s32 $0xFFFF6000  }
0x11c: {  	_ =	swait.ge [sflag:s18], $0x500  }
0x11d: {  	[sflag:s18] =	ssyncset.done $0x0  }
0x11e: {  	[sflag:s18] =	ssyncadd.s32 $0xFFFFFB00  }
0x11f: {  	[tilespmem:s8], [sflag:$0x4] =	stream.indirect.gather [hbm4b:s3+s10], $0x20, s2, s10, $0xb8;
	[tilespmem:$0x1EF00] =	vst v63  }
0x120: {  	_ =	swait.ge [sflag:s22], $0xA000  }
0x121: {  	[sflag:s22] =	ssyncset.done $0x0  }
0x122: {  	[sflag:s22] =	ssyncadd.s32 $0xFFFF6000  }
0x123: {  	[hbm4b:s11+s2] =	stream.linear.scatter [tilespmem:s21], [sflag:$0x9], $0xA000, $0x38;
	[tilespmem:$0x1EF00] =	vst v63  }
0x124: {  	_ =	swait.ge [sflag:s7], $0xA000  }
0x125: {  	[sflag:s7] =	ssyncset.done $0x0  }
0x126: {  	[sflag:s7] =	ssyncadd.s32 $0xFFFF6000  }
0x127: {  	_ =	swait.ge [sflag:s13], $0x500  }
0x128: {  	[sflag:s13] =	ssyncset.done $0x0  }
0x129: {  	[sflag:s13] =	ssyncadd.s32 $0xFFFFFB00  }
0x12a: {  	[tilespmem:s6], [sflag:$0x5] =	stream.indirect.gather [hbm4b:s3+s10], $0x20, s10, s10, $0xb8;
	[tilespmem:$0x1EF00] =	vst v63  }
0x12b: {  	_ =	swait.ge [sflag:s12], $0xA000  }
0x12c: {  	[sflag:s12] =	ssyncset.done $0x0  }
0x12d: {  	[sflag:s12] =	ssyncadd.s32 $0xFFFF6000  }
0x12e: {  	[hbm4b:s5+s2] =	stream.linear.scatter [tilespmem:s8], [sflag:$0x7], $0xA000, $0x38;
	[tilespmem:$0x1EF00] =	vst v63  }
0x12f: {  	_ =	swait.ge [sflag:s14], $0xA000  }
0x130: {  	[sflag:s14] =	ssyncset.done $0x0  }
0x131: {  	[sflag:s14] =	ssyncadd.s32 $0xFFFF6000  }
0x132: {  	[hbm4b:s4+s2] =	stream.linear.scatter [tilespmem:s6], [sflag:$0x8], $0xA000, $0x38;
	[tilespmem:$0x1EF00] =	vst v63  }
0x133: {  	_ =	swait.ge [sflag:s15], $0xA000  }
0x134: {  	[sflag:s15] =	ssyncset.done $0x0  }
0x135: {  	[sflag:s15] =	ssyncadd.s32 $0xFFFF6000  }
0x136: {  	_ =	swait.ge [sflag:s9], $0xA000  }
0x137: {  	s1 =	rddreg [dreg:$0x1f]  }
0x138: {  	p1 =	sne.s32 s1, $0x1  }
.Ltmp1:
0x139: {  	_ = 	snop;
	(pc) =	sbr.rel @!p1 .LBB2_3-.Ltmp1, $4  }
0x13a: {  	[sflag:s9] =	ssyncset.done $0x0  }
0x13b: {  	[sflag:s9] =	ssyncadd.s32 $0xFFFF6000  }
0x13c: {  	p0 =	por $0x1, $0x1;
	_ =	swait.ge [sflag:s7], $0xA000;
	[dreg:$0x1e] =	wrdreg s31  }
0x13d: {  	s1 =	sadd.s32 $0xFFFFFFFF, s1;
	s0 =	rddreg [dreg:$0x3];
	[sflag:s7] =	ssyncset.done $0x0  }
.LBB2_2:
0x13e: {  	[sflag:s7] =	ssyncadd.s32 $0xFFFF6000;
	s31 =	smov.u32 s30  }
0x13f: {  	s30 =	smov.u32 s29;
	s29 =	smov.u32 s26;
	s26 =	smov.u32 s24  }
0x140: {  	s24 =	smov.u32 s23;
	s23 =	smov.u32 s20;
	s20 =	smov.u32 s19  }
0x141: {  	s19 =	smov.u32 s17;
	s17 =	smov.u32 s16;
	s16 =	smov.u32 s11  }
0x142: {  	[tilespmem:s2], [sflag:$0x1] =	stream.linear.gather [hbm4b:s0+s2], $0x500, $0x38;
	[tilespmem:$0x1EF00] =	vst v63  }
0x143: {  	s11 =	smov.u32 s5;
	s5 =	smov.u32 s4;
	s4 =	rddreg [dreg:$0x4]  }
0x144: {  	[tilespmem:s10], [sflag:$0x2] =	stream.linear.gather [hbm4b:s4+s2], $0x500, $0x38;
	[tilespmem:$0x1EF00] =	vst v63  }
0x145: {  	s0 =	rddreg [dreg:$0x5]  }
0x146: {  	[tilespmem:s25], [sflag:$0x3] =	stream.linear.gather [hbm4b:s0+s2], $0x500, $0x38;
	[tilespmem:$0x1EF00] =	vst v63  }
0x147: {  	_ =	swait.ge [sflag:s18], $0x500  }
0x148: {  	[sflag:s18] =	ssyncset.done $0x0  }
0x149: {  	[sflag:s18] =	ssyncadd.s32 $0xFFFFFB00  }
0x14a: {  	[tilespmem:s8], [sflag:$0x4] =	stream.indirect.gather [hbm4b:s3+s10], $0x20, s2, s10, $0xb8;
	[tilespmem:$0x1EF00] =	vst v63  }
0x14b: {  	_ =	swait.ge [sflag:s13], $0x500  }
0x14c: {  	[sflag:s13] =	ssyncset.done $0x0  }
0x14d: {  	[sflag:s13] =	ssyncadd.s32 $0xFFFFFB00  }
0x14e: {  	[tilespmem:s6], [sflag:$0x5] =	stream.indirect.gather [hbm4b:s3+s10], $0x20, s10, s10, $0xb8;
	[tilespmem:$0x1EF00] =	vst v63  }
0x14f: {  	_ =	swait.ge [sflag:s12], $0xA000  }
0x150: {  	[sflag:s12] =	ssyncset.done $0x0  }
0x151: {  	s0 =	rddreg [dreg:$0x6];
	[sflag:s12] =	ssyncadd.s32 $0xFFFF6000  }
0x152: {  	[hbm4b:s0+s2] =	stream.linear.scatter [tilespmem:s8], [sflag:$0x7], $0xA000, $0x38;
	[tilespmem:$0x1EF00] =	vst v63  }
0x153: {  	s4 =	rddreg [dreg:$0x7]  }
0x154: {  	[tilespmem:s2], [sflag:$0x1] =	stream.linear.gather [hbm4b:s4+s2], $0x500, $0x38;
	[tilespmem:$0x1EF00] =	vst v63  }
0x155: {  	_ =	swait.ge [sflag:s28], $0x500  }
0x156: {  	[sflag:s28] =	ssyncset.done $0x0  }
0x157: {  	[sflag:s28] =	ssyncadd.s32 $0xFFFFFB00  }
0x158: {  	[tilespmem:s21], [sflag:$0x6] =	stream.indirect.gather [hbm4b:s3+s10], $0x20, s25, s10, $0xb8;
	[tilespmem:$0x1EF00] =	vst v63  }
0x159: {  	_ =	swait.ge [sflag:s14], $0xA000  }
0x15a: {  	[sflag:s14] =	ssyncset.done $0x0  }
0x15b: {  	s0 =	rddreg [dreg:$0x8];
	[sflag:s14] =	ssyncadd.s32 $0xFFFF6000  }
0x15c: {  	[hbm4b:s0+s2] =	stream.linear.scatter [tilespmem:s6], [sflag:$0x8], $0xA000, $0x38;
	[tilespmem:$0x1EF00] =	vst v63  }
0x15d: {  	s4 =	rddreg [dreg:$0x9]  }
0x15e: {  	[tilespmem:s10], [sflag:$0x2] =	stream.linear.gather [hbm4b:s4+s2], $0x500, $0x38;
	[tilespmem:$0x1EF00] =	vst v63  }
0x15f: {  	_ =	swait.ge [sflag:s9], $0xA000  }
0x160: {  	[sflag:s9] =	ssyncset.done $0x0  }
0x161: {  	[sflag:s9] =	ssyncadd.s32 $0xFFFF6000  }
0x162: {  	_ =	swait.ge [sflag:s18], $0x500  }
0x163: {  	[sflag:s18] =	ssyncset.done $0x0  }
0x164: {  	[sflag:s18] =	ssyncadd.s32 $0xFFFFFB00  }
0x165: {  	[tilespmem:s8], [sflag:$0x4] =	stream.indirect.gather [hbm4b:s3+s10], $0x20, s2, s10, $0xb8;
	[tilespmem:$0x1EF00] =	vst v63  }
0x166: {  	_ =	swait.ge [sflag:s22], $0xA000  }
0x167: {  	[sflag:s22] =	ssyncset.done $0x0  }
0x168: {  	s0 =	rddreg [dreg:$0xa];
	[sflag:s22] =	ssyncadd.s32 $0xFFFF6000  }
0x169: {  	[hbm4b:s0+s2] =	stream.linear.scatter [tilespmem:s21], [sflag:$0x9], $0xA000, $0x38;
	[tilespmem:$0x1EF00] =	vst v63  }
0x16a: {  	s4 =	rddreg [dreg:$0xb]  }
0x16b: {  	[tilespmem:s25], [sflag:$0x3] =	stream.linear.gather [hbm4b:s4+s2], $0x500, $0x38;
	[tilespmem:$0x1EF00] =	vst v63  }
0x16c: {  	_ =	swait.ge [sflag:s7], $0xA000  }
0x16d: {  	[sflag:s7] =	ssyncset.done $0x0  }
0x16e: {  	[sflag:s7] =	ssyncadd.s32 $0xFFFF6000  }
0x16f: {  	_ =	swait.ge [sflag:s13], $0x500  }
0x170: {  	[sflag:s13] =	ssyncset.done $0x0  }
0x171: {  	[sflag:s13] =	ssyncadd.s32 $0xFFFFFB00  }
0x172: {  	[tilespmem:s6], [sflag:$0x5] =	stream.indirect.gather [hbm4b:s3+s10], $0x20, s10, s10, $0xb8;
	[tilespmem:$0x1EF00] =	vst v63  }
0x173: {  	_ =	swait.ge [sflag:s12], $0xA000  }
0x174: {  	[sflag:s12] =	ssyncset.done $0x0  }
0x175: {  	s0 =	rddreg [dreg:$0xc];
	[sflag:s12] =	ssyncadd.s32 $0xFFFF6000  }
0x176: {  	[hbm4b:s0+s2] =	stream.linear.scatter [tilespmem:s8], [sflag:$0x7], $0xA000, $0x38;
	[tilespmem:$0x1EF00] =	vst v63  }
0x177: {  	s4 =	rddreg [dreg:$0xd]  }
0x178: {  	[tilespmem:s2], [sflag:$0x1] =	stream.linear.gather [hbm4b:s4+s2], $0x500, $0x38;
	[tilespmem:$0x1EF00] =	vst v63  }
0x179: {  	_ =	swait.ge [sflag:s15], $0xA000  }
0x17a: {  	[sflag:s15] =	ssyncset.done $0x0  }
0x17b: {  	[sflag:s15] =	ssyncadd.s32 $0xFFFF6000  }
0x17c: {  	_ =	swait.ge [sflag:s28], $0x500  }
0x17d: {  	[sflag:s28] =	ssyncset.done $0x0  }
0x17e: {  	[sflag:s28] =	ssyncadd.s32 $0xFFFFFB00  }
0x17f: {  	[tilespmem:s21], [sflag:$0x6] =	stream.indirect.gather [hbm4b:s3+s10], $0x20, s25, s10, $0xb8;
	[tilespmem:$0x1EF00] =	vst v63  }
0x180: {  	_ =	swait.ge [sflag:s14], $0xA000  }
0x181: {  	[sflag:s14] =	ssyncset.done $0x0  }
0x182: {  	s0 =	rddreg [dreg:$0xe];
	[sflag:s14] =	ssyncadd.s32 $0xFFFF6000  }
0x183: {  	[hbm4b:s0+s2] =	stream.linear.scatter [tilespmem:s6], [sflag:$0x8], $0xA000, $0x38;
	[tilespmem:$0x1EF00] =	vst v63  }
0x184: {  	s4 =	rddreg [dreg:$0xf]  }
0x185: {  	[tilespmem:s10], [sflag:$0x2] =	stream.linear.gather [hbm4b:s4+s2], $0x500, $0x38;
	[tilespmem:$0x1EF00] =	vst v63  }
0x186: {  	_ =	swait.ge [sflag:s9], $0xA000  }
0x187: {  	[sflag:s9] =	ssyncset.done $0x0  }
0x188: {  	[sflag:s9] =	ssyncadd.s32 $0xFFFF6000  }
0x189: {  	_ =	swait.ge [sflag:s18], $0x500  }
0x18a: {  	[sflag:s18] =	ssyncset.done $0x0  }
0x18b: {  	[sflag:s18] =	ssyncadd.s32 $0xFFFFFB00  }
0x18c: {  	[tilespmem:s8], [sflag:$0x4] =	stream.indirect.gather [hbm4b:s3+s10], $0x20, s2, s10, $0xb8;
	[tilespmem:$0x1EF00] =	vst v63  }
0x18d: {  	_ =	swait.ge [sflag:s22], $0xA000  }
0x18e: {  	[sflag:s22] =	ssyncset.done $0x0  }
0x18f: {  	s0 =	rddreg [dreg:$0x10];
	[sflag:s22] =	ssyncadd.s32 $0xFFFF6000  }
0x190: {  	[hbm4b:s0+s2] =	stream.linear.scatter [tilespmem:s21], [sflag:$0x9], $0xA000, $0x38;
	[tilespmem:$0x1EF00] =	vst v63  }
0x191: {  	s4 =	rddreg [dreg:$0x11]  }
0x192: {  	[tilespmem:s25], [sflag:$0x3] =	stream.linear.gather [hbm4b:s4+s2], $0x500, $0x38;
	[tilespmem:$0x1EF00] =	vst v63  }
0x193: {  	_ =	swait.ge [sflag:s7], $0xA000  }
0x194: {  	[sflag:s7] =	ssyncset.done $0x0  }
0x195: {  	[sflag:s7] =	ssyncadd.s32 $0xFFFF6000  }
0x196: {  	_ =	swait.ge [sflag:s13], $0x500  }
0x197: {  	[sflag:s13] =	ssyncset.done $0x0  }
0x198: {  	[sflag:s13] =	ssyncadd.s32 $0xFFFFFB00  }
0x199: {  	[tilespmem:s6], [sflag:$0x5] =	stream.indirect.gather [hbm4b:s3+s10], $0x20, s10, s10, $0xb8;
	[tilespmem:$0x1EF00] =	vst v63  }
0x19a: {  	_ =	swait.ge [sflag:s12], $0xA000  }
0x19b: {  	[sflag:s12] =	ssyncset.done $0x0  }
0x19c: {  	s0 =	rddreg [dreg:$0x12];
	[sflag:s12] =	ssyncadd.s32 $0xFFFF6000  }
0x19d: {  	[hbm4b:s0+s2] =	stream.linear.scatter [tilespmem:s8], [sflag:$0x7], $0xA000, $0x38;
	[tilespmem:$0x1EF00] =	vst v63  }
0x19e: {  	s4 =	rddreg [dreg:$0x13]  }
0x19f: {  	[tilespmem:s2], [sflag:$0x1] =	stream.linear.gather [hbm4b:s4+s2], $0x500, $0x38;
	[tilespmem:$0x1EF00] =	vst v63  }
0x1a0: {  	_ =	swait.ge [sflag:s15], $0xA000  }
0x1a1: {  	[sflag:s15] =	ssyncset.done $0x0  }
0x1a2: {  	[sflag:s15] =	ssyncadd.s32 $0xFFFF6000  }
0x1a3: {  	_ =	swait.ge [sflag:s28], $0x500  }
0x1a4: {  	[sflag:s28] =	ssyncset.done $0x0  }
0x1a5: {  	[sflag:s28] =	ssyncadd.s32 $0xFFFFFB00  }
0x1a6: {  	[tilespmem:s21], [sflag:$0x6] =	stream.indirect.gather [hbm4b:s3+s10], $0x20, s25, s10, $0xb8;
	[tilespmem:$0x1EF00] =	vst v63  }
0x1a7: {  	_ =	swait.ge [sflag:s14], $0xA000  }
0x1a8: {  	[sflag:s14] =	ssyncset.done $0x0  }
0x1a9: {  	s0 =	rddreg [dreg:$0x14];
	[sflag:s14] =	ssyncadd.s32 $0xFFFF6000  }
0x1aa: {  	[hbm4b:s0+s2] =	stream.linear.scatter [tilespmem:s6], [sflag:$0x8], $0xA000, $0x38;
	[tilespmem:$0x1EF00] =	vst v63  }
0x1ab: {  	s4 =	rddreg [dreg:$0x15]  }
0x1ac: {  	[tilespmem:s10], [sflag:$0x2] =	stream.linear.gather [hbm4b:s4+s2], $0x500, $0x38;
	[tilespmem:$0x1EF00] =	vst v63  }
0x1ad: {  	_ =	swait.ge [sflag:s9], $0xA000  }
0x1ae: {  	[sflag:s9] =	ssyncset.done $0x0  }
0x1af: {  	[sflag:s9] =	ssyncadd.s32 $0xFFFF6000  }
0x1b0: {  	_ =	swait.ge [sflag:s18], $0x500  }
0x1b1: {  	[sflag:s18] =	ssyncset.done $0x0  }
0x1b2: {  	[sflag:s18] =	ssyncadd.s32 $0xFFFFFB00  }
0x1b3: {  	[tilespmem:s8], [sflag:$0x4] =	stream.indirect.gather [hbm4b:s3+s10], $0x20, s2, s10, $0xb8;
	[tilespmem:$0x1EF00] =	vst v63  }
0x1b4: {  	_ =	swait.ge [sflag:s22], $0xA000  }
0x1b5: {  	[sflag:s22] =	ssyncset.done $0x0  }
0x1b6: {  	s0 =	rddreg [dreg:$0x16];
	[sflag:s22] =	ssyncadd.s32 $0xFFFF6000  }
0x1b7: {  	[hbm4b:s0+s2] =	stream.linear.scatter [tilespmem:s21], [sflag:$0x9], $0xA000, $0x38;
	[tilespmem:$0x1EF00] =	vst v63  }
0x1b8: {  	s4 =	rddreg [dreg:$0x17]  }
0x1b9: {  	[tilespmem:s25], [sflag:$0x3] =	stream.linear.gather [hbm4b:s4+s2], $0x500, $0x38;
	[tilespmem:$0x1EF00] =	vst v63  }
0x1ba: {  	_ =	swait.ge [sflag:s7], $0xA000  }
0x1bb: {  	[sflag:s7] =	ssyncset.done $0x0  }
0x1bc: {  	[sflag:s7] =	ssyncadd.s32 $0xFFFF6000  }
0x1bd: {  	_ =	swait.ge [sflag:s13], $0x500  }
0x1be: {  	[sflag:s13] =	ssyncset.done $0x0  }
0x1bf: {  	[sflag:s13] =	ssyncadd.s32 $0xFFFFFB00  }
0x1c0: {  	[tilespmem:s6], [sflag:$0x5] =	stream.indirect.gather [hbm4b:s3+s10], $0x20, s10, s10, $0xb8;
	[tilespmem:$0x1EF00] =	vst v63  }
0x1c1: {  	_ =	swait.ge [sflag:s12], $0xA000  }
0x1c2: {  	[sflag:s12] =	ssyncset.done $0x0  }
0x1c3: {  	s0 =	rddreg [dreg:$0x18];
	[sflag:s12] =	ssyncadd.s32 $0xFFFF6000  }
0x1c4: {  	[hbm4b:s0+s2] =	stream.linear.scatter [tilespmem:s8], [sflag:$0x7], $0xA000, $0x38;
	[tilespmem:$0x1EF00] =	vst v63  }
0x1c5: {  	s4 =	rddreg [dreg:$0x19]  }
0x1c6: {  	[tilespmem:s2], [sflag:$0x1] =	stream.linear.gather [hbm4b:s4+s2], $0x500, $0x38;
	[tilespmem:$0x1EF00] =	vst v63  }
0x1c7: {  	_ =	swait.ge [sflag:s15], $0xA000  }
0x1c8: {  	[sflag:s15] =	ssyncset.done $0x0  }
0x1c9: {  	[sflag:s15] =	ssyncadd.s32 $0xFFFF6000  }
0x1ca: {  	_ =	swait.ge [sflag:s28], $0x500  }
0x1cb: {  	[sflag:s28] =	ssyncset.done $0x0  }
0x1cc: {  	[sflag:s28] =	ssyncadd.s32 $0xFFFFFB00  }
0x1cd: {  	[tilespmem:s21], [sflag:$0x6] =	stream.indirect.gather [hbm4b:s3+s10], $0x20, s25, s10, $0xb8;
	[tilespmem:$0x1EF00] =	vst v63  }
0x1ce: {  	_ =	swait.ge [sflag:s14], $0xA000  }
0x1cf: {  	[sflag:s14] =	ssyncset.done $0x0  }
0x1d0: {  	s0 =	rddreg [dreg:$0x1a];
	[sflag:s14] =	ssyncadd.s32 $0xFFFF6000  }
0x1d1: {  	[hbm4b:s0+s2] =	stream.linear.scatter [tilespmem:s6], [sflag:$0x8], $0xA000, $0x38;
	[tilespmem:$0x1EF00] =	vst v63  }
0x1d2: {  	s4 =	rddreg [dreg:$0x1b]  }
0x1d3: {  	[tilespmem:s10], [sflag:$0x2] =	stream.linear.gather [hbm4b:s4+s2], $0x500, $0x38;
	[tilespmem:$0x1EF00] =	vst v63  }
0x1d4: {  	_ =	swait.ge [sflag:s9], $0xA000  }
0x1d5: {  	[sflag:s9] =	ssyncset.done $0x0  }
0x1d6: {  	[sflag:s9] =	ssyncadd.s32 $0xFFFF6000  }
0x1d7: {  	_ =	swait.ge [sflag:s18], $0x500  }
0x1d8: {  	[sflag:s18] =	ssyncset.done $0x0  }
0x1d9: {  	[sflag:s18] =	ssyncadd.s32 $0xFFFFFB00  }
0x1da: {  	[tilespmem:s8], [sflag:$0x4] =	stream.indirect.gather [hbm4b:s3+s10], $0x20, s2, s10, $0xb8;
	[tilespmem:$0x1EF00] =	vst v63  }
0x1db: {  	_ =	swait.ge [sflag:s22], $0xA000  }
0x1dc: {  	[sflag:s22] =	ssyncset.done $0x0  }
0x1dd: {  	s0 =	rddreg [dreg:$0x1c];
	[sflag:s22] =	ssyncadd.s32 $0xFFFF6000  }
0x1de: {  	[hbm4b:s0+s2] =	stream.linear.scatter [tilespmem:s21], [sflag:$0x9], $0xA000, $0x38;
	[tilespmem:$0x1EF00] =	vst v63  }
0x1df: {  	s4 =	rddreg [dreg:$0x1d]  }
0x1e0: {  	[tilespmem:s25], [sflag:$0x3] =	stream.linear.gather [hbm4b:s4+s2], $0x500, $0x38;
	[tilespmem:$0x1EF00] =	vst v63  }
0x1e1: {  	s4 =	smov.u32 s5;
	s5 =	smov.u32 s11  }
0x1e2: {  	s11 =	smov.u32 s16;
	s16 =	smov.u32 s17;
	s17 =	smov.u32 s19  }
0x1e3: {  	s19 =	smov.u32 s20;
	s20 =	smov.u32 s23;
	s23 =	smov.u32 s24  }
0x1e4: {  	s24 =	smov.u32 s26;
	s26 =	smov.u32 s29;
	s29 =	smov.u32 s30  }
0x1e5: {  	s30 =	smov.u32 s31;
	s31 =	rddreg [dreg:$0x1e];
	_ =	swait.ge [sflag:s7], $0xA000  }
0x1e6: {  	[sflag:s7] =	ssyncset.done $0x0  }
0x1e7: {  	[sflag:s7] =	ssyncadd.s32 $0xFFFF6000  }
0x1e8: {  	_ =	swait.ge [sflag:s13], $0x500  }
0x1e9: {  	[sflag:s13] =	ssyncset.done $0x0  }
0x1ea: {  	[sflag:s13] =	ssyncadd.s32 $0xFFFFFB00  }
0x1eb: {  	[tilespmem:s6], [sflag:$0x5] =	stream.indirect.gather [hbm4b:s3+s10], $0x20, s10, s10, $0xb8;
	[tilespmem:$0x1EF00] =	vst v63  }
0x1ec: {  	_ =	swait.ge [sflag:s12], $0xA000  }
0x1ed: {  	[sflag:s12] =	ssyncset.done $0x0  }
0x1ee: {  	[sflag:s12] =	ssyncadd.s32 $0xFFFF6000  }
0x1ef: {  	[hbm4b:s30+s2] =	stream.linear.scatter [tilespmem:s8], [sflag:$0x7], $0xA000, $0x38;
	[tilespmem:$0x1EF00] =	vst v63  }
0x1f0: {  	_ = 	snop  }
0x1f1: {  	[tilespmem:s2], [sflag:$0x1] =	stream.linear.gather [hbm4b:s31+s2], $0x500, $0x38;
	[tilespmem:$0x1EF00] =	vst v63  }
0x1f2: {  	_ =	swait.ge [sflag:s15], $0xA000  }
0x1f3: {  	[sflag:s15] =	ssyncset.done $0x0  }
0x1f4: {  	[sflag:s15] =	ssyncadd.s32 $0xFFFF6000  }
0x1f5: {  	_ =	swait.ge [sflag:s28], $0x500  }
0x1f6: {  	[sflag:s28] =	ssyncset.done $0x0  }
0x1f7: {  	[sflag:s28] =	ssyncadd.s32 $0xFFFFFB00  }
0x1f8: {  	[tilespmem:s21], [sflag:$0x6] =	stream.indirect.gather [hbm4b:s3+s10], $0x20, s25, s10, $0xb8;
	[tilespmem:$0x1EF00] =	vst v63  }
0x1f9: {  	_ =	swait.ge [sflag:s14], $0xA000  }
0x1fa: {  	[sflag:s14] =	ssyncset.done $0x0  }
0x1fb: {  	[sflag:s14] =	ssyncadd.s32 $0xFFFF6000  }
0x1fc: {  	[hbm4b:s26+s2] =	stream.linear.scatter [tilespmem:s6], [sflag:$0x8], $0xA000, $0x38;
	[tilespmem:$0x1EF00] =	vst v63  }
0x1fd: {  	_ = 	snop  }
0x1fe: {  	[tilespmem:s10], [sflag:$0x2] =	stream.linear.gather [hbm4b:s29+s2], $0x500, $0x38;
	[tilespmem:$0x1EF00] =	vst v63  }
0x1ff: {  	_ =	swait.ge [sflag:s9], $0xA000  }
0x200: {  	[sflag:s9] =	ssyncset.done $0x0  }
0x201: {  	[sflag:s9] =	ssyncadd.s32 $0xFFFF6000  }
0x202: {  	_ =	swait.ge [sflag:s18], $0x500  }
0x203: {  	[sflag:s18] =	ssyncset.done $0x0  }
0x204: {  	[sflag:s18] =	ssyncadd.s32 $0xFFFFFB00  }
0x205: {  	[tilespmem:s8], [sflag:$0x4] =	stream.indirect.gather [hbm4b:s3+s10], $0x20, s2, s10, $0xb8;
	[tilespmem:$0x1EF00] =	vst v63  }
0x206: {  	_ =	swait.ge [sflag:s22], $0xA000  }
0x207: {  	[sflag:s22] =	ssyncset.done $0x0  }
0x208: {  	[sflag:s22] =	ssyncadd.s32 $0xFFFF6000  }
0x209: {  	[hbm4b:s23+s2] =	stream.linear.scatter [tilespmem:s21], [sflag:$0x9], $0xA000, $0x38;
	[tilespmem:$0x1EF00] =	vst v63  }
0x20a: {  	_ = 	snop  }
0x20b: {  	[tilespmem:s25], [sflag:$0x3] =	stream.linear.gather [hbm4b:s24+s2], $0x500, $0x38;
	[tilespmem:$0x1EF00] =	vst v63  }
0x20c: {  	_ =	swait.ge [sflag:s7], $0xA000  }
0x20d: {  	[sflag:s7] =	ssyncset.done $0x0  }
0x20e: {  	[sflag:s7] =	ssyncadd.s32 $0xFFFF6000  }
0x20f: {  	_ =	swait.ge [sflag:s13], $0x500  }
0x210: {  	[sflag:s13] =	ssyncset.done $0x0  }
0x211: {  	[sflag:s13] =	ssyncadd.s32 $0xFFFFFB00  }
0x212: {  	[tilespmem:s6], [sflag:$0x5] =	stream.indirect.gather [hbm4b:s3+s10], $0x20, s10, s10, $0xb8;
	[tilespmem:$0x1EF00] =	vst v63  }
0x213: {  	_ =	swait.ge [sflag:s12], $0xA000  }
0x214: {  	[sflag:s12] =	ssyncset.done $0x0  }
0x215: {  	[sflag:s12] =	ssyncadd.s32 $0xFFFF6000  }
0x216: {  	[hbm4b:s19+s2] =	stream.linear.scatter [tilespmem:s8], [sflag:$0x7], $0xA000, $0x38;
	[tilespmem:$0x1EF00] =	vst v63  }
0x217: {  	_ = 	snop  }
0x218: {  	[tilespmem:s2], [sflag:$0x1] =	stream.linear.gather [hbm4b:s20+s2], $0x500, $0x38;
	[tilespmem:$0x1EF00] =	vst v63  }
0x219: {  	_ =	swait.ge [sflag:s15], $0xA000  }
0x21a: {  	[sflag:s15] =	ssyncset.done $0x0  }
0x21b: {  	[sflag:s15] =	ssyncadd.s32 $0xFFFF6000  }
0x21c: {  	_ =	swait.ge [sflag:s28], $0x500  }
0x21d: {  	[sflag:s28] =	ssyncset.done $0x0  }
0x21e: {  	[sflag:s28] =	ssyncadd.s32 $0xFFFFFB00  }
0x21f: {  	[tilespmem:s21], [sflag:$0x6] =	stream.indirect.gather [hbm4b:s3+s10], $0x20, s25, s10, $0xb8;
	[tilespmem:$0x1EF00] =	vst v63  }
0x220: {  	_ =	swait.ge [sflag:s14], $0xA000  }
0x221: {  	[sflag:s14] =	ssyncset.done $0x0  }
0x222: {  	[sflag:s14] =	ssyncadd.s32 $0xFFFF6000  }
0x223: {  	[hbm4b:s16+s2] =	stream.linear.scatter [tilespmem:s6], [sflag:$0x8], $0xA000, $0x38;
	[tilespmem:$0x1EF00] =	vst v63  }
0x224: {  	_ = 	snop  }
0x225: {  	[tilespmem:s10], [sflag:$0x2] =	stream.linear.gather [hbm4b:s17+s2], $0x500, $0x38;
	[tilespmem:$0x1EF00] =	vst v63  }
0x226: {  	_ =	swait.ge [sflag:s9], $0xA000  }
0x227: {  	[sflag:s9] =	ssyncset.done $0x0  }
0x228: {  	[sflag:s9] =	ssyncadd.s32 $0xFFFF6000  }
0x229: {  	_ =	swait.ge [sflag:s18], $0x500  }
0x22a: {  	[sflag:s18] =	ssyncset.done $0x0  }
0x22b: {  	[sflag:s18] =	ssyncadd.s32 $0xFFFFFB00  }
0x22c: {  	[tilespmem:s8], [sflag:$0x4] =	stream.indirect.gather [hbm4b:s3+s10], $0x20, s2, s10, $0xb8;
	[tilespmem:$0x1EF00] =	vst v63  }
0x22d: {  	_ =	swait.ge [sflag:s22], $0xA000  }
0x22e: {  	[sflag:s22] =	ssyncset.done $0x0  }
0x22f: {  	[sflag:s22] =	ssyncadd.s32 $0xFFFF6000  }
0x230: {  	[hbm4b:s11+s2] =	stream.linear.scatter [tilespmem:s21], [sflag:$0x9], $0xA000, $0x38;
	[tilespmem:$0x1EF00] =	vst v63  }
0x231: {  	_ =	swait.ge [sflag:s7], $0xA000  }
0x232: {  	[sflag:s7] =	ssyncset.done $0x0  }
0x233: {  	[sflag:s7] =	ssyncadd.s32 $0xFFFF6000  }
0x234: {  	_ =	swait.ge [sflag:s13], $0x500  }
0x235: {  	[sflag:s13] =	ssyncset.done $0x0  }
0x236: {  	[sflag:s13] =	ssyncadd.s32 $0xFFFFFB00  }
0x237: {  	[tilespmem:s6], [sflag:$0x5] =	stream.indirect.gather [hbm4b:s3+s10], $0x20, s10, s10, $0xb8;
	[tilespmem:$0x1EF00] =	vst v63  }
0x238: {  	_ =	swait.ge [sflag:s12], $0xA000  }
0x239: {  	[sflag:s12] =	ssyncset.done $0x0  }
0x23a: {  	[sflag:s12] =	ssyncadd.s32 $0xFFFF6000  }
0x23b: {  	[hbm4b:s5+s2] =	stream.linear.scatter [tilespmem:s8], [sflag:$0x7], $0xA000, $0x38;
	[tilespmem:$0x1EF00] =	vst v63  }
0x23c: {  	_ =	swait.ge [sflag:s14], $0xA000  }
0x23d: {  	[sflag:s14] =	ssyncset.done $0x0  }
0x23e: {  	[sflag:s14] =	ssyncadd.s32 $0xFFFF6000  }
0x23f: {  	[hbm4b:s4+s2] =	stream.linear.scatter [tilespmem:s6], [sflag:$0x8], $0xA000, $0x38;
	[tilespmem:$0x1EF00] =	vst v63  }
0x240: {  	_ =	swait.ge [sflag:s15], $0xA000  }
0x241: {  	[sflag:s15] =	ssyncset.done $0x0  }
0x242: {  	p1 =	sne.s32 s1, $0x1;
	[sflag:s15] =	ssyncadd.s32 $0xFFFF6000  }
.Ltmp2:
0x243: {  	_ =	swait.ge [sflag:s9], $0xA000;
	(pc) =	sbr.rel @p1 .LBB2_2-.Ltmp2, $4  }
0x244: {  	[sflag:s9] =	ssyncset.done $0x0  }
0x245: {  	[sflag:s9] =	ssyncadd.s32 $0xFFFF6000  }
0x246: {  	_ =	swait.ge [sflag:s7], $0xA000  }
0x247: {  	s1 =	sadd.s32 $0xFFFFFFFF, s1;
	s0 =	rddreg [dreg:$0x3];
	[sflag:s7] =	ssyncset.done $0x0  }
.LBB2_3:
0x248: {  	[sflag:s7] =	ssyncadd.s32 @p0 $0xFFFF6000  }
0x249: {  	[tilespmem:s2], [sflag:$0x1] =	stream.linear.gather [hbm4b:s0+s2], $0x500, $0x38;
	[tilespmem:$0x1EF00] =	vst v63  }
0x24a: {  	s1 =	rddreg [dreg:$0x4]  }
0x24b: {  	[tilespmem:s10], [sflag:$0x2] =	stream.linear.gather [hbm4b:s1+s2], $0x500, $0x38;
	[tilespmem:$0x1EF00] =	vst v63  }
0x24c: {  	s0 =	rddreg [dreg:$0x5]  }
0x24d: {  	[tilespmem:s25], [sflag:$0x3] =	stream.linear.gather [hbm4b:s0+s2], $0x500, $0x38;
	[tilespmem:$0x1EF00] =	vst v63  }
0x24e: {  	_ =	swait.ge [sflag:s18], $0x500  }
0x24f: {  	[sflag:s18] =	ssyncset.done $0x0  }
0x250: {  	[sflag:s18] =	ssyncadd.s32 $0xFFFFFB00  }
0x251: {  	[tilespmem:s8], [sflag:$0x4] =	stream.indirect.gather [hbm4b:s3+s10], $0x20, s2, s10, $0xb8;
	[tilespmem:$0x1EF00] =	vst v63  }
0x252: {  	_ =	swait.ge [sflag:s13], $0x500  }
0x253: {  	[sflag:s13] =	ssyncset.done $0x0  }
0x254: {  	[sflag:s13] =	ssyncadd.s32 $0xFFFFFB00  }
0x255: {  	[tilespmem:s6], [sflag:$0x5] =	stream.indirect.gather [hbm4b:s3+s10], $0x20, s10, s10, $0xb8;
	[tilespmem:$0x1EF00] =	vst v63  }
0x256: {  	_ =	swait.ge [sflag:s12], $0xA000  }
0x257: {  	[sflag:s12] =	ssyncset.done $0x0  }
0x258: {  	s0 =	rddreg [dreg:$0x6];
	[sflag:s12] =	ssyncadd.s32 $0xFFFF6000  }
0x259: {  	[hbm4b:s0+s2] =	stream.linear.scatter [tilespmem:s8], [sflag:$0x7], $0xA000, $0x38;
	[tilespmem:$0x1EF00] =	vst v63  }
0x25a: {  	s1 =	rddreg [dreg:$0x7]  }
0x25b: {  	[tilespmem:s2], [sflag:$0x1] =	stream.linear.gather [hbm4b:s1+s2], $0x500, $0x38;
	[tilespmem:$0x1EF00] =	vst v63  }
0x25c: {  	_ =	swait.ge [sflag:s28], $0x500  }
0x25d: {  	[sflag:s28] =	ssyncset.done $0x0  }
0x25e: {  	[sflag:s28] =	ssyncadd.s32 $0xFFFFFB00  }
0x25f: {  	[tilespmem:s21], [sflag:$0x6] =	stream.indirect.gather [hbm4b:s3+s10], $0x20, s25, s10, $0xb8;
	[tilespmem:$0x1EF00] =	vst v63  }
0x260: {  	_ =	swait.ge [sflag:s14], $0xA000  }
0x261: {  	[sflag:s14] =	ssyncset.done $0x0  }
0x262: {  	s0 =	rddreg [dreg:$0x8];
	[sflag:s14] =	ssyncadd.s32 $0xFFFF6000  }
0x263: {  	[hbm4b:s0+s2] =	stream.linear.scatter [tilespmem:s6], [sflag:$0x8], $0xA000, $0x38;
	[tilespmem:$0x1EF00] =	vst v63  }
0x264: {  	s1 =	rddreg [dreg:$0x9]  }
0x265: {  	[tilespmem:s10], [sflag:$0x2] =	stream.linear.gather [hbm4b:s1+s2], $0x500, $0x38;
	[tilespmem:$0x1EF00] =	vst v63  }
0x266: {  	_ =	swait.ge [sflag:s9], $0xA000  }
0x267: {  	[sflag:s9] =	ssyncset.done $0x0  }
0x268: {  	[sflag:s9] =	ssyncadd.s32 $0xFFFF6000  }
0x269: {  	_ =	swait.ge [sflag:s18], $0x500  }
0x26a: {  	[sflag:s18] =	ssyncset.done $0x0  }
0x26b: {  	[sflag:s18] =	ssyncadd.s32 $0xFFFFFB00  }
0x26c: {  	[tilespmem:s8], [sflag:$0x4] =	stream.indirect.gather [hbm4b:s3+s10], $0x20, s2, s10, $0xb8;
	[tilespmem:$0x1EF00] =	vst v63  }
0x26d: {  	_ =	swait.ge [sflag:s22], $0xA000  }
0x26e: {  	[sflag:s22] =	ssyncset.done $0x0  }
0x26f: {  	s0 =	rddreg [dreg:$0xa];
	[sflag:s22] =	ssyncadd.s32 $0xFFFF6000  }
0x270: {  	[hbm4b:s0+s2] =	stream.linear.scatter [tilespmem:s21], [sflag:$0x9], $0xA000, $0x38;
	[tilespmem:$0x1EF00] =	vst v63  }
0x271: {  	s1 =	rddreg [dreg:$0xb]  }
0x272: {  	[tilespmem:s25], [sflag:$0x3] =	stream.linear.gather [hbm4b:s1+s2], $0x500, $0x38;
	[tilespmem:$0x1EF00] =	vst v63  }
0x273: {  	_ =	swait.ge [sflag:s7], $0xA000  }
0x274: {  	[sflag:s7] =	ssyncset.done $0x0  }
0x275: {  	[sflag:s7] =	ssyncadd.s32 $0xFFFF6000  }
0x276: {  	_ =	swait.ge [sflag:s13], $0x500  }
0x277: {  	[sflag:s13] =	ssyncset.done $0x0  }
0x278: {  	[sflag:s13] =	ssyncadd.s32 $0xFFFFFB00  }
0x279: {  	[tilespmem:s6], [sflag:$0x5] =	stream.indirect.gather [hbm4b:s3+s10], $0x20, s10, s10, $0xb8;
	[tilespmem:$0x1EF00] =	vst v63  }
0x27a: {  	_ =	swait.ge [sflag:s12], $0xA000  }
0x27b: {  	[sflag:s12] =	ssyncset.done $0x0  }
0x27c: {  	s0 =	rddreg [dreg:$0xc];
	[sflag:s12] =	ssyncadd.s32 $0xFFFF6000  }
0x27d: {  	[hbm4b:s0+s2] =	stream.linear.scatter [tilespmem:s8], [sflag:$0x7], $0xA000, $0x38;
	[tilespmem:$0x1EF00] =	vst v63  }
0x27e: {  	s1 =	rddreg [dreg:$0xd]  }
0x27f: {  	[tilespmem:s2], [sflag:$0x1] =	stream.linear.gather [hbm4b:s1+s2], $0x500, $0x38;
	[tilespmem:$0x1EF00] =	vst v63  }
0x280: {  	_ =	swait.ge [sflag:s15], $0xA000  }
0x281: {  	[sflag:s15] =	ssyncset.done $0x0  }
0x282: {  	[sflag:s15] =	ssyncadd.s32 $0xFFFF6000  }
0x283: {  	_ =	swait.ge [sflag:s28], $0x500  }
0x284: {  	[sflag:s28] =	ssyncset.done $0x0  }
0x285: {  	[sflag:s28] =	ssyncadd.s32 $0xFFFFFB00  }
0x286: {  	[tilespmem:s21], [sflag:$0x6] =	stream.indirect.gather [hbm4b:s3+s10], $0x20, s25, s10, $0xb8;
	[tilespmem:$0x1EF00] =	vst v63  }
0x287: {  	_ =	swait.ge [sflag:s14], $0xA000  }
0x288: {  	[sflag:s14] =	ssyncset.done $0x0  }
0x289: {  	s0 =	rddreg [dreg:$0xe];
	[sflag:s14] =	ssyncadd.s32 $0xFFFF6000  }
0x28a: {  	[hbm4b:s0+s2] =	stream.linear.scatter [tilespmem:s6], [sflag:$0x8], $0xA000, $0x38;
	[tilespmem:$0x1EF00] =	vst v63  }
0x28b: {  	s1 =	rddreg [dreg:$0xf]  }
0x28c: {  	[tilespmem:s10], [sflag:$0x2] =	stream.linear.gather [hbm4b:s1+s2], $0x500, $0x38;
	[tilespmem:$0x1EF00] =	vst v63  }
0x28d: {  	_ =	swait.ge [sflag:s9], $0xA000  }
0x28e: {  	[sflag:s9] =	ssyncset.done $0x0  }
0x28f: {  	[sflag:s9] =	ssyncadd.s32 $0xFFFF6000  }
0x290: {  	_ =	swait.ge [sflag:s18], $0x500  }
0x291: {  	[sflag:s18] =	ssyncset.done $0x0  }
0x292: {  	[sflag:s18] =	ssyncadd.s32 $0xFFFFFB00  }
0x293: {  	[tilespmem:s8], [sflag:$0x4] =	stream.indirect.gather [hbm4b:s3+s10], $0x20, s2, s10, $0xb8;
	[tilespmem:$0x1EF00] =	vst v63  }
0x294: {  	_ =	swait.ge [sflag:s22], $0xA000  }
0x295: {  	[sflag:s22] =	ssyncset.done $0x0  }
0x296: {  	s0 =	rddreg [dreg:$0x10];
	[sflag:s22] =	ssyncadd.s32 $0xFFFF6000  }
0x297: {  	[hbm4b:s0+s2] =	stream.linear.scatter [tilespmem:s21], [sflag:$0x9], $0xA000, $0x38;
	[tilespmem:$0x1EF00] =	vst v63  }
0x298: {  	s1 =	rddreg [dreg:$0x11]  }
0x299: {  	[tilespmem:s25], [sflag:$0x3] =	stream.linear.gather [hbm4b:s1+s2], $0x500, $0x38;
	[tilespmem:$0x1EF00] =	vst v63  }
0x29a: {  	_ =	swait.ge [sflag:s7], $0xA000  }
0x29b: {  	[sflag:s7] =	ssyncset.done $0x0  }
0x29c: {  	[sflag:s7] =	ssyncadd.s32 $0xFFFF6000  }
0x29d: {  	_ =	swait.ge [sflag:s13], $0x500  }
0x29e: {  	[sflag:s13] =	ssyncset.done $0x0  }
0x29f: {  	[sflag:s13] =	ssyncadd.s32 $0xFFFFFB00  }
0x2a0: {  	[tilespmem:s6], [sflag:$0x5] =	stream.indirect.gather [hbm4b:s3+s10], $0x20, s10, s10, $0xb8;
	[tilespmem:$0x1EF00] =	vst v63  }
0x2a1: {  	_ =	swait.ge [sflag:s12], $0xA000  }
0x2a2: {  	[sflag:s12] =	ssyncset.done $0x0  }
0x2a3: {  	s0 =	rddreg [dreg:$0x12];
	[sflag:s12] =	ssyncadd.s32 $0xFFFF6000  }
0x2a4: {  	[hbm4b:s0+s2] =	stream.linear.scatter [tilespmem:s8], [sflag:$0x7], $0xA000, $0x38;
	[tilespmem:$0x1EF00] =	vst v63  }
0x2a5: {  	s1 =	rddreg [dreg:$0x13]  }
0x2a6: {  	[tilespmem:s2], [sflag:$0x1] =	stream.linear.gather [hbm4b:s1+s2], $0x500, $0x38;
	[tilespmem:$0x1EF00] =	vst v63  }
0x2a7: {  	_ =	swait.ge [sflag:s15], $0xA000  }
0x2a8: {  	[sflag:s15] =	ssyncset.done $0x0  }
0x2a9: {  	[sflag:s15] =	ssyncadd.s32 $0xFFFF6000  }
0x2aa: {  	_ =	swait.ge [sflag:s28], $0x500  }
0x2ab: {  	[sflag:s28] =	ssyncset.done $0x0  }
0x2ac: {  	[sflag:s28] =	ssyncadd.s32 $0xFFFFFB00  }
0x2ad: {  	[tilespmem:s21], [sflag:$0x6] =	stream.indirect.gather [hbm4b:s3+s10], $0x20, s25, s10, $0xb8;
	[tilespmem:$0x1EF00] =	vst v63  }
0x2ae: {  	_ =	swait.ge [sflag:s14], $0xA000  }
0x2af: {  	[sflag:s14] =	ssyncset.done $0x0  }
0x2b0: {  	s0 =	rddreg [dreg:$0x14];
	[sflag:s14] =	ssyncadd.s32 $0xFFFF6000  }
0x2b1: {  	[hbm4b:s0+s2] =	stream.linear.scatter [tilespmem:s6], [sflag:$0x8], $0xA000, $0x38;
	[tilespmem:$0x1EF00] =	vst v63  }
0x2b2: {  	s1 =	rddreg [dreg:$0x15]  }
0x2b3: {  	[tilespmem:s10], [sflag:$0x2] =	stream.linear.gather [hbm4b:s1+s2], $0x500, $0x38;
	[tilespmem:$0x1EF00] =	vst v63  }
0x2b4: {  	_ =	swait.ge [sflag:s9], $0xA000  }
0x2b5: {  	[sflag:s9] =	ssyncset.done $0x0  }
0x2b6: {  	[sflag:s9] =	ssyncadd.s32 $0xFFFF6000  }
0x2b7: {  	_ =	swait.ge [sflag:s18], $0x500  }
0x2b8: {  	[sflag:s18] =	ssyncset.done $0x0  }
0x2b9: {  	[sflag:s18] =	ssyncadd.s32 $0xFFFFFB00  }
0x2ba: {  	[tilespmem:s8], [sflag:$0x4] =	stream.indirect.gather [hbm4b:s3+s10], $0x20, s2, s10, $0xb8;
	[tilespmem:$0x1EF00] =	vst v63  }
0x2bb: {  	_ =	swait.ge [sflag:s22], $0xA000  }
0x2bc: {  	[sflag:s22] =	ssyncset.done $0x0  }
0x2bd: {  	s0 =	rddreg [dreg:$0x16];
	[sflag:s22] =	ssyncadd.s32 $0xFFFF6000  }
0x2be: {  	[hbm4b:s0+s2] =	stream.linear.scatter [tilespmem:s21], [sflag:$0x9], $0xA000, $0x38;
	[tilespmem:$0x1EF00] =	vst v63  }
0x2bf: {  	s1 =	rddreg [dreg:$0x17]  }
0x2c0: {  	[tilespmem:s25], [sflag:$0x3] =	stream.linear.gather [hbm4b:s1+s2], $0x500, $0x38;
	[tilespmem:$0x1EF00] =	vst v63  }
0x2c1: {  	_ =	swait.ge [sflag:s7], $0xA000  }
0x2c2: {  	[sflag:s7] =	ssyncset.done $0x0  }
0x2c3: {  	[sflag:s7] =	ssyncadd.s32 $0xFFFF6000  }
0x2c4: {  	_ =	swait.ge [sflag:s13], $0x500  }
0x2c5: {  	[sflag:s13] =	ssyncset.done $0x0  }
0x2c6: {  	[sflag:s13] =	ssyncadd.s32 $0xFFFFFB00  }
0x2c7: {  	[tilespmem:s6], [sflag:$0x5] =	stream.indirect.gather [hbm4b:s3+s10], $0x20, s10, s10, $0xb8;
	[tilespmem:$0x1EF00] =	vst v63  }
0x2c8: {  	_ =	swait.ge [sflag:s12], $0xA000  }
0x2c9: {  	[sflag:s12] =	ssyncset.done $0x0  }
0x2ca: {  	s0 =	rddreg [dreg:$0x18];
	[sflag:s12] =	ssyncadd.s32 $0xFFFF6000  }
0x2cb: {  	[hbm4b:s0+s2] =	stream.linear.scatter [tilespmem:s8], [sflag:$0x7], $0xA000, $0x38;
	[tilespmem:$0x1EF00] =	vst v63  }
0x2cc: {  	s1 =	rddreg [dreg:$0x19]  }
0x2cd: {  	[tilespmem:s2], [sflag:$0x1] =	stream.linear.gather [hbm4b:s1+s2], $0x500, $0x38;
	[tilespmem:$0x1EF00] =	vst v63  }
0x2ce: {  	_ =	swait.ge [sflag:s15], $0xA000  }
0x2cf: {  	[sflag:s15] =	ssyncset.done $0x0  }
0x2d0: {  	[sflag:s15] =	ssyncadd.s32 $0xFFFF6000  }
0x2d1: {  	_ =	swait.ge [sflag:s28], $0x500  }
0x2d2: {  	[sflag:s28] =	ssyncset.done $0x0  }
0x2d3: {  	[sflag:s28] =	ssyncadd.s32 $0xFFFFFB00  }
0x2d4: {  	[tilespmem:s21], [sflag:$0x6] =	stream.indirect.gather [hbm4b:s3+s10], $0x20, s25, s10, $0xb8;
	[tilespmem:$0x1EF00] =	vst v63  }
0x2d5: {  	_ =	swait.ge [sflag:s14], $0xA000  }
0x2d6: {  	[sflag:s14] =	ssyncset.done $0x0  }
0x2d7: {  	s0 =	rddreg [dreg:$0x1a];
	[sflag:s14] =	ssyncadd.s32 $0xFFFF6000  }
0x2d8: {  	[hbm4b:s0+s2] =	stream.linear.scatter [tilespmem:s6], [sflag:$0x8], $0xA000, $0x38;
	[tilespmem:$0x1EF00] =	vst v63  }
0x2d9: {  	s1 =	rddreg [dreg:$0x1b]  }
0x2da: {  	[tilespmem:s10], [sflag:$0x2] =	stream.linear.gather [hbm4b:s1+s2], $0x500, $0x38;
	[tilespmem:$0x1EF00] =	vst v63  }
0x2db: {  	_ =	swait.ge [sflag:s9], $0xA000  }
0x2dc: {  	[sflag:s9] =	ssyncset.done $0x0  }
0x2dd: {  	[sflag:s9] =	ssyncadd.s32 $0xFFFF6000  }
0x2de: {  	_ =	swait.ge [sflag:s18], $0x500  }
0x2df: {  	[sflag:s18] =	ssyncset.done $0x0  }
0x2e0: {  	[sflag:s18] =	ssyncadd.s32 $0xFFFFFB00  }
0x2e1: {  	[tilespmem:s8], [sflag:$0x4] =	stream.indirect.gather [hbm4b:s3+s10], $0x20, s2, s10, $0xb8;
	[tilespmem:$0x1EF00] =	vst v63  }
0x2e2: {  	_ =	swait.ge [sflag:s22], $0xA000  }
0x2e3: {  	[sflag:s22] =	ssyncset.done $0x0  }
0x2e4: {  	s0 =	rddreg [dreg:$0x1c];
	[sflag:s22] =	ssyncadd.s32 $0xFFFF6000  }
0x2e5: {  	[hbm4b:s0+s2] =	stream.linear.scatter [tilespmem:s21], [sflag:$0x9], $0xA000, $0x38;
	[tilespmem:$0x1EF00] =	vst v63  }
0x2e6: {  	s1 =	rddreg [dreg:$0x1d]  }
0x2e7: {  	[tilespmem:s25], [sflag:$0x3] =	stream.linear.gather [hbm4b:s1+s2], $0x500, $0x38;
	[tilespmem:$0x1EF00] =	vst v63  }
0x2e8: {  	_ =	swait.ge [sflag:s7], $0xA000  }
0x2e9: {  	[sflag:s7] =	ssyncset.done $0x0  }
0x2ea: {  	[sflag:s7] =	ssyncadd.s32 $0xFFFF6000  }
0x2eb: {  	_ =	swait.ge [sflag:s13], $0x500  }
0x2ec: {  	[sflag:s13] =	ssyncset.done $0x0  }
0x2ed: {  	[sflag:s13] =	ssyncadd.s32 $0xFFFFFB00  }
0x2ee: {  	[tilespmem:s6], [sflag:$0x5] =	stream.indirect.gather [hbm4b:s3+s10], $0x20, s10, s10, $0xb8;
	[tilespmem:$0x1EF00] =	vst v63  }
0x2ef: {  	_ =	swait.ge [sflag:s12], $0xA000  }
0x2f0: {  	[sflag:s12] =	ssyncset.done $0x0  }
0x2f1: {  	[sflag:s12] =	ssyncadd.s32 $0xFFFF6000  }
0x2f2: {  	[hbm4b:s30+s2] =	stream.linear.scatter [tilespmem:s8], [sflag:$0x7], $0xA000, $0x38;
	[tilespmem:$0x1EF00] =	vst v63  }
0x2f3: {  	_ = 	snop  }
0x2f4: {  	[tilespmem:s2], [sflag:$0x1] =	stream.linear.gather [hbm4b:s31+s2], $0x500, $0x38;
	[tilespmem:$0x1EF00] =	vst v63  }
0x2f5: {  	_ =	swait.ge [sflag:s15], $0xA000  }
0x2f6: {  	[sflag:s15] =	ssyncset.done $0x0  }
0x2f7: {  	[sflag:s15] =	ssyncadd.s32 $0xFFFF6000  }
0x2f8: {  	_ =	swait.ge [sflag:s28], $0x500  }
0x2f9: {  	[sflag:s28] =	ssyncset.done $0x0  }
0x2fa: {  	[sflag:s28] =	ssyncadd.s32 $0xFFFFFB00  }
0x2fb: {  	[tilespmem:s21], [sflag:$0x6] =	stream.indirect.gather [hbm4b:s3+s10], $0x20, s25, s10, $0xb8;
	[tilespmem:$0x1EF00] =	vst v63  }
0x2fc: {  	_ =	swait.ge [sflag:s14], $0xA000  }
0x2fd: {  	[sflag:s14] =	ssyncset.done $0x0  }
0x2fe: {  	[sflag:s14] =	ssyncadd.s32 $0xFFFF6000  }
0x2ff: {  	[hbm4b:s26+s2] =	stream.linear.scatter [tilespmem:s6], [sflag:$0x8], $0xA000, $0x38;
	[tilespmem:$0x1EF00] =	vst v63  }
0x300: {  	_ = 	snop  }
0x301: {  	[tilespmem:s10], [sflag:$0x2] =	stream.linear.gather [hbm4b:s29+s2], $0x500, $0x38;
	[tilespmem:$0x1EF00] =	vst v63  }
0x302: {  	_ =	swait.ge [sflag:s9], $0xA000  }
0x303: {  	[sflag:s9] =	ssyncset.done $0x0  }
0x304: {  	[sflag:s9] =	ssyncadd.s32 $0xFFFF6000  }
0x305: {  	_ =	swait.ge [sflag:s18], $0x500  }
0x306: {  	[sflag:s18] =	ssyncset.done $0x0  }
0x307: {  	[sflag:s18] =	ssyncadd.s32 $0xFFFFFB00  }
0x308: {  	[tilespmem:s8], [sflag:$0x4] =	stream.indirect.gather [hbm4b:s3+s10], $0x20, s2, s10, $0xb8;
	[tilespmem:$0x1EF00] =	vst v63  }
0x309: {  	_ =	swait.ge [sflag:s22], $0xA000  }
0x30a: {  	[sflag:s22] =	ssyncset.done $0x0  }
0x30b: {  	[sflag:s22] =	ssyncadd.s32 $0xFFFF6000  }
0x30c: {  	[hbm4b:s23+s2] =	stream.linear.scatter [tilespmem:s21], [sflag:$0x9], $0xA000, $0x38;
	[tilespmem:$0x1EF00] =	vst v63  }
0x30d: {  	_ = 	snop  }
0x30e: {  	[tilespmem:s25], [sflag:$0x3] =	stream.linear.gather [hbm4b:s24+s2], $0x500, $0x38;
	[tilespmem:$0x1EF00] =	vst v63  }
0x30f: {  	_ =	swait.ge [sflag:s7], $0xA000  }
0x310: {  	[sflag:s7] =	ssyncset.done $0x0  }
0x311: {  	[sflag:s7] =	ssyncadd.s32 $0xFFFF6000  }
0x312: {  	_ =	swait.ge [sflag:s13], $0x500  }
0x313: {  	[sflag:s13] =	ssyncset.done $0x0  }
0x314: {  	[sflag:s13] =	ssyncadd.s32 $0xFFFFFB00  }
0x315: {  	[tilespmem:s6], [sflag:$0x5] =	stream.indirect.gather [hbm4b:s3+s10], $0x20, s10, s10, $0xb8;
	[tilespmem:$0x1EF00] =	vst v63  }
0x316: {  	_ =	swait.ge [sflag:s12], $0xA000  }
0x317: {  	[sflag:s12] =	ssyncset.done $0x0  }
0x318: {  	[sflag:s12] =	ssyncadd.s32 $0xFFFF6000  }
0x319: {  	[hbm4b:s19+s2] =	stream.linear.scatter [tilespmem:s8], [sflag:$0x7], $0xA000, $0x38;
	[tilespmem:$0x1EF00] =	vst v63  }
0x31a: {  	_ = 	snop  }
0x31b: {  	[tilespmem:s2], [sflag:$0x1] =	stream.linear.gather [hbm4b:s20+s2], $0x500, $0x38;
	[tilespmem:$0x1EF00] =	vst v63  }
0x31c: {  	_ =	swait.ge [sflag:s15], $0xA000  }
0x31d: {  	[sflag:s15] =	ssyncset.done $0x0  }
0x31e: {  	[sflag:s15] =	ssyncadd.s32 $0xFFFF6000  }
0x31f: {  	_ =	swait.ge [sflag:s28], $0x500  }
0x320: {  	[sflag:s28] =	ssyncset.done $0x0  }
0x321: {  	[sflag:s28] =	ssyncadd.s32 $0xFFFFFB00  }
0x322: {  	[tilespmem:s21], [sflag:$0x6] =	stream.indirect.gather [hbm4b:s3+s10], $0x20, s25, s10, $0xb8;
	[tilespmem:$0x1EF00] =	vst v63  }
0x323: {  	_ =	swait.ge [sflag:s14], $0xA000  }
0x324: {  	[sflag:s14] =	ssyncset.done $0x0  }
0x325: {  	[sflag:s14] =	ssyncadd.s32 $0xFFFF6000  }
0x326: {  	[hbm4b:s16+s2] =	stream.linear.scatter [tilespmem:s6], [sflag:$0x8], $0xA000, $0x38;
	[tilespmem:$0x1EF00] =	vst v63  }
0x327: {  	_ = 	snop  }
0x328: {  	[tilespmem:s10], [sflag:$0x2] =	stream.linear.gather [hbm4b:s17+s2], $0x500, $0x38;
	[tilespmem:$0x1EF00] =	vst v63  }
0x329: {  	_ =	swait.ge [sflag:s9], $0xA000  }
0x32a: {  	[sflag:s9] =	ssyncset.done $0x0  }
0x32b: {  	[sflag:s9] =	ssyncadd.s32 $0xFFFF6000  }
0x32c: {  	_ =	swait.ge [sflag:s18], $0x500  }
0x32d: {  	[sflag:s18] =	ssyncset.done $0x0  }
0x32e: {  	[sflag:s18] =	ssyncadd.s32 $0xFFFFFB00  }
0x32f: {  	[tilespmem:s8], [sflag:$0x4] =	stream.indirect.gather [hbm4b:s3+s10], $0x20, s2, s10, $0xb8;
	[tilespmem:$0x1EF00] =	vst v63  }
0x330: {  	_ =	swait.ge [sflag:s22], $0xA000  }
0x331: {  	[sflag:s22] =	ssyncset.done $0x0  }
0x332: {  	[sflag:s22] =	ssyncadd.s32 $0xFFFF6000  }
0x333: {  	[hbm4b:s11+s2] =	stream.linear.scatter [tilespmem:s21], [sflag:$0x9], $0xA000, $0x38;
	[tilespmem:$0x1EF00] =	vst v63  }
0x334: {  	_ =	swait.ge [sflag:s7], $0xA000  }
0x335: {  	[sflag:s7] =	ssyncset.done $0x0  }
0x336: {  	[sflag:s7] =	ssyncadd.s32 $0xFFFF6000  }
0x337: {  	_ =	swait.ge [sflag:s13], $0x500  }
0x338: {  	[sflag:s13] =	ssyncset.done $0x0  }
0x339: {  	[sflag:s13] =	ssyncadd.s32 $0xFFFFFB00  }
0x33a: {  	[tilespmem:s6], [sflag:$0x5] =	stream.indirect.gather [hbm4b:s3+s10], $0x20, s10, s10, $0xb8;
	[tilespmem:$0x1EF00] =	vst v63  }
0x33b: {  	_ =	swait.ge [sflag:s12], $0xA000  }
0x33c: {  	[sflag:s12] =	ssyncset.done $0x0  }
0x33d: {  	[sflag:s12] =	ssyncadd.s32 $0xFFFF6000  }
0x33e: {  	[hbm4b:s5+s2] =	stream.linear.scatter [tilespmem:s8], [sflag:$0x7], $0xA000, $0x38;
	[tilespmem:$0x1EF00] =	vst v63  }
0x33f: {  	_ =	swait.ge [sflag:s14], $0xA000  }
0x340: {  	[sflag:s14] =	ssyncset.done $0x0  }
0x341: {  	[sflag:s14] =	ssyncadd.s32 $0xFFFF6000  }
0x342: {  	[hbm4b:s4+s2] =	stream.linear.scatter [tilespmem:s6], [sflag:$0x8], $0xA000, $0x38;
	[tilespmem:$0x1EF00] =	vst v63  }
0x343: {  	_ =	swait.ge [sflag:s15], $0xA000  }
0x344: {  	[sflag:s15] =	ssyncset.done $0x0  }
0x345: {  	[sflag:s15] =	ssyncadd.s32 $0xFFFF6000  }
0x346: {  	_ =	swait.ge [sflag:s9], $0xA000  }
0x347: {  	[sflag:s9] =	ssyncset.done $0x0  }
0x348: {  	[sflag:s9] =	ssyncadd.s32 $0xFFFF6000  }
0x349: {  	_ =	swait.ge [sflag:s7], $0xA000  }
0x34a: {  	[sflag:s7] =	ssyncset.done $0x0  }
0x34b: {  	[sflag:s7] =	ssyncadd.s32 $0xFFFF6000  }
0x34c: {  	_ =	sfence.sel $0x180000  }
0x34d: {  	[bflag:$0x0] =	sbarrier.arrive $0xFFFF  }
0x34e: {  	_ =	strace $0x90000047  }
0x34f: {  	s31 =	stileid.u32;
	[bflag:$0x2] =	sbarrier.arrive $0xFFFF  }
0x350: {  	p0 =	sne.s32 s31, $0x0;
	s0 =	rddreg [dreg:$0x2]  }
0x351: {  	s0 =	sadd.s32 @!p0 $0x100000, s0  }
0x352: {  	[sflag:s0] =	ssyncadd.tile.s32 @!p0 $0x1;
	_ =	shalt  }
.Lfunc_end2:
_tile_overlayer_lowered:
.L_overlay_start_2:
0x353: {  	(tag) =	ssettag $0x2  }
0x354: {  	s0 =	rddreg [dreg:$0x0];
	s2 =	stileid.u32  }
0x355: {  	s1 =	rddreg [dreg:$0x1];
	p0 =	sne.s32 s2, $0x0  }
0x356: {  	s3 =	rddreg [dreg:$0x2];
	[bflag:$0x3] =	sbarrier.arrive $0xFFFF;
	s2 =	simm.s32 @!p0 $0x1C0A  }
0x357: {  	[timem:s3], [sflag:s2] =	dma.local @!p0 [hbm:s0], s1  }
0x358: {  	s0 =	simm.s32 @!p0 $0xA  }
0x359: {  	_ =	swait.ge @!p0 [sflag:s0], s1  }
0x35a: {  	s1 =	ssub.s32 @!p0 $0x0, s1;
	[sflag:s0] =	ssyncset.done @!p0 $0x0  }
0x35b: {  	[sflag:s0] =	ssyncadd.s32 @!p0 s1  }
0x35c: {  	[bflag:$0x3] =	sbarrier.arrive $0xFFFF  }
0x35d: {  	_ =	shalt  }

// kernel: sparse-core-data-format-call.1.cloned.1.call-start
scs
called_computation.1_lowered:
.L_overlay_start_0:
0x0: {  	s2 =	sld [smem:$0x3FD9]  }
0x1: {  	s3 =	sld [smem:$0x3FFE];
	_ =	sdelay $0x1  }
0x2: {  	s1 =	srdreg.scid  }
0x3: {  	s0 =	sand.u32 $0x1, s1  }
0x4: {  	s18 =	sshll.u32 s0, $0xA;
	s2 =	sadd.s32 s3, s2  }
0x5: {  	s2 =	sadd.s32 s2, s18  }
0x6: {  	[smem:$0x3FC6] =	sst s2  }
0x7: {  	_ = 	snop  }
0x8: {  	s2 =	sld [smem:$0x3FD0];
	(tm) =	ssettm $0x1  }
0x9: {  	s19 =	sld [smem:$0x3FFB];
	_ =	sdelay $0x3  }
0xa: {  	_ =	strace s19  }
0xb: {  	s3 =	sld [smem:$0x3FFC];
	_ =	sdelay $0x3  }
0xc: {  	_ =	strace s3  }
0xd: {  	s3 =	sld [smem:$0x3FFD];
	_ =	sdelay $0x3  }
0xe: {  	_ =	strace s3  }
0xf: {  	_ =	strace $0x8FFFFFFF  }
0x10: {  	s20 =	sld [smem:$0x3FDB];
	_ =	sdelay $0x1  }
0x11: {  	s4 =	simm.s32 $_scs_section_size  }
0x12: {  	s5 =	simm.s32 $_size__tile_overlayer_lowered;
	s6 =	simm.s32 $_tile_overlayer_lowered  }
0x13: {  	s23 =	simm.s32 $0x1BFF;
	s22 =	sshll.u32 s6, $0x1;
	s3 =	sadd.s32 s4, s20  }
0x14: {  	s7 =	simm.s32 $0x0;
	s21 =	sshll.u32 s5, $0x1;
	s5 =	sadd.s32 s22, s3  }
0x15: {  	[timem:s7], [sflag:s23] =	dma.local [hbm:s5], s21  }
0x16: {  	_ =	swait.ge [sflag:s23], s21  }
0x17: {  	s4 =	ssub.s32 $0x0, s21;
	[sflag:s23] =	ssyncset.done $0x0  }
0x18: {  	[sflag:s23] =	ssyncadd.s32 s4;
	_ =	sdelay $0x1  }
0x19: {  	s24 =	simm.s32 $0x1B8B  }
0x1a: {  	_ =	swait.ge [sflag:s24], $0x1  }
0x1b: {  	[sflag:s24] =	ssyncset.done $0x0  }
0x1c: {  	s26 =	simm.s32 $0x1B8E;
	s25 =	sld [smem:$0x3FFE];
	[sflag:s24] =	ssyncadd.s32 $0xFFFFFFFF  }
0x1d: {  	s27 =	simm.s32 $execute0_lowered;
	[smem:$0x3FD2] =	sst s26  }
0x1e: {  	s5 =	sshll.u32 s27, $0x1;
	_ =	strace $0x80000049;
	[dreg:$0x1] =	wrdreg $0xFFFFFFFF  }
0x1f: {  	s28 =	simm.s32 $_size_execute0_lowered;
	s3 =	sadd.s32 s3, s5;
	[dreg:$0x0] =	wrdreg $0x0  }
0x20: {  	s5 =	sshll.u32 s28, $0x1;
	[dreg:$0x2] =	wrdreg s3  }
0x21: {  	[dreg:$0x3] =	wrdreg s5  }
0x22: {  	[dreg:$0x4] =	wrdreg $0xC0  }
0x23: {  	_ =	task [dreg:s7], $0x5FFFF  }
0x24: {  	[dreg:$0x1] =	wrdreg $0xFFFFFFFF  }
0x25: {  	[dreg:$0x0] =	wrdreg $0x60  }
0x26: {  	[dreg:$0x2] =	wrdreg s25  }
0x27: {  	[dreg:$0x3] =	wrdreg s2  }
0x28: {  	[dreg:$0x4] =	wrdreg $0x9  }
0x29: {  	_ =	task.clear_ibuf [dreg:s7], $0x5FFFF;
	_ =	strace $0x90000049  }
0x2a: {  	s29 =	simm.s32 $0x9;
	_ =	strace $0x8000004B  }
0x2b: {  	_ =	swait.ge [sflag:s29], $0x1  }
0x2c: {  	[sflag:s29] =	ssyncadd.s32 $0xFFFFFFFF  }
0x2d: {  	_ =	strace $0x9000004B  }
0x2e: {  	_ =	sfence  }
0x2f: {  	s30 =	sld [smem:$0x0];
	_ =	sdelay $0x2  }
0x30: {  	s31 =	sshll.u32 s1, $0xD;
	s1 =	sshrl.u32 s1, $0x2  }
0x31: {  	s3 =	sand.u32 $0x4000, s31;
	s1 =	sadd.s32 s1, s30  }
0x32: {  	s0 =	sor.u32 s3, s0;
	s1 =	sshll.u32 s1, $0x11  }
0x33: {  	s0 =	sor.u32 s1, s0  }
0x34: {  	s0 =	sadd.s32 $0x8F2B, s0  }
0x35: {  	[sflag:s0] =	ssyncadd.remote.s32 $0x1  }
0x36: {  	_ =	sfence.sel $0xFFFF  }
0x37: {  	[dreg:$0x0] =	wrdreg $0xFFFFFFFF;
	(pc) =	sbr.abs _section_cstart, $3  }
0x38: {  	[dreg:$0x1] =	wrdreg $0xFFFFFFFF  }
0x39: {  	_ =	task.clear_ibuf [dreg:s7], $0x2FFFF;
	_ =	strace $0x9FFFFFFF  }
0x3a: {  	(tm) =	ssettm $0x7FFFFFFF  }
0x3b: {  	_ =	shalt  }
tec
execute0_lowered:
.L_overlay_start_1:
0x0: {  	(tag) =	ssettag $0x1  }
0x1: {  	s0 =	srdreg.scid  }
0x2: {  	s1 =	sshll.u32 s0, $0x4  }
0x3: {  	s4 =	rddreg [dreg:$0x0];
	s0 =	stileid.u32;
	s1 =	sand.u32 $0x10, s1  }
0x4: {  	s2 =	rddreg [dreg:$0x1];
	s7 =	simm.s32 $0x1;
	s1 =	sor.u32 s0, s1  }
0x5: {  	s8 =	simm.s32 $0x2;
	s11 =	simm.s32 $0x0;
	s3 =	sshll.u32 s1, $0x7  }
0x6: {  	s10 =	simm.s32 $0x0;
	s4 =	sadd.s32 $0xE00, s4;
	s6 =	ssub.s32 $0xC8000, s3  }
.Ltmp0:
0x7: {  	s1 =	rddreg [dreg:$0x2];
	s5 =	sand.u32 $0xF80, s6;
	(pc) =	sbr.rel .LBB1_1-.Ltmp0, $4  }
0x8: {  	_ =	strace $0x8000004A;
	s9 =	smov.u32 s3;
	p0 =	sne.s32 s5, $0x0  }
0x9: {  	s6 =	sshrl.u32 s6, $0xC;
	s5 =	simm.s32 $0x1;
	s7 =	simm.s32 @!p0 $0x0  }
0xa: {  	[sflag:s5] =	ssyncpa.u1 $0x0;
	p0 =	por $0x0, $0x0;
	s6 =	sadd.s32 s7, s6  }
0xb: {  	[sflag:s8] =	ssyncpa.u1 $0x0;
	s8 =	simm.s32 $0x640000;
	s7 =	sadd.s32 $0x1, s6  }
.LBB1_4:
0xc: {  	s14 =	sshll.u32 s11, $0x3  }
0xd: {  	s30 =	sand.u32 $0x7F, s11;
	s15 =	sand.u32 $0xFFFFFC00, s14  }
0xe: {  	s11 =	sor.u32 s30, s15  }
0xf: {  	s15 =	smulhi.u32 $0x51EB851F, s11  }
0x10: {  	s14 =	smulhi.u32 $0x51EB851F, s14  }
0x11: {  	s15 =	sshrl.u32 s15, $0x12  }
0x12: {  	s14 =	sshrl.u32 s14, $0x12;
	s15 =	smul.u32 $0xC8000, s15  }
0x13: {  	s14 =	sand.u32 $0x1F, s14  }
0x14: {  	s14 =	smul.u32 $0x19000, s14;
	s11 =	ssub.s32 s11, s15  }
0x15: {  	s15 =	sand.u32 $0x7, s11  }
0x16: {  	s14 =	sadd.s32 s2, s14;
	s11 =	sshrl.u32 s11, $0x3;
	s15 =	sshll.u32 s15, $0x12  }
0x17: {  	[tilespmem:s13+$0x0 ss:$0x81] =	vst.msk $0xffff, v0;
	s11 =	sadd.s32 s11, s14;
	s31 =	sor.u32 $0x400, s15  }
0x18: {  	[hbm4b:s11+s31] =	stream.strided.scatter [tilespmem:s12], [sflag:$0x2], $0x1000, s8, s31, $0x20;
	[tilespmem:$0x4040] =	vst v63  }
.LBB1_5:
0x19: {  	s13 =	sadd.s32 $0x1000, s9  }
0x1a: {  	p2 =	sgt.s32 s13, $0xC7FFF  }
0x1b: {  	s13 =	smov.u32 @p2 s3;
	p2 =	sne.s32 s10, s7  }
.Ltmp1:
0x1c: {  	p1 =	slt.u32 s10, $0x2;
	(pc) =	sbr.rel @!p2 .LBB1_6-.Ltmp1, $4  }
0x1d: {  	s12 =	simm.s32 @!p1 $0x2  }
0x1e: {  	s14 =	sadd.s32 $0x1, s10;
	_ =	swait.ge @!p1 [sflag:s12], $0x1000  }
0x1f: {  	s11 =	smov.u32 s9;
	p0 =	por !p0, !p0;
	[sflag:s12] =	ssyncset.done @!p1 $0x0  }
0x20: {  	s10 =	smov.u32 s14;
	s9 =	smov.u32 s13;
	[sflag:s12] =	ssyncadd.s32 @!p1 $0xFFFFF000  }
.LBB1_1:
0x21: {  	p1 =	sge.u32 s10, s6  }
0x22: {  	s12 =	sand.u32 @!p1 $0x1FFFFFF, s9  }
0x23: {  	s13 =	smulhi.u32 @!p1 $0x147AE15, s12;
	_ =	sdelay $0x1  }
0x24: {  	s13 =	sshrl.u32 @!p1 s13, $0xC  }
0x25: {  	s13 =	smul.u32 @!p1 $0xC8000, s13;
	_ =	sdelay $0x1  }
0x26: {  	s31 =	sadd.s32 $0xFFFFFFFF, s10;
	s14 =	sxor.u32 @!p1 $0xFFFFFFFF, s10;
	s12 =	ssub.s32 @!p1 s12, s13  }
0x27: {  	s15 =	simm.s32 @!p1 $0x80;
	s14 =	sshll.u32 @!p1 s14, $0xC;
	s12 =	sshll.u32 @!p1 s12, $0x4  }
0x28: {  	s13 =	sand.u32 @!p1 $0x1000, s14;
	s14 =	simm.s32 @!p1 $0x20;
	s12 =	sadd.s32 @!p1 s4, s12  }
0x29: {  	[tilespmem:s13], [sflag:$0x1] =	stream.strided.gather @!p1 [hbm4b:s12+s14], $0x1000, s15, s14, $0x38;
	[tilespmem:$0x4040] =	vst v63  }
0x2a: {  	p1 =	sge.u32 s31, s6  }
.Ltmp2:
0x2b: {  	_ = 	snop;
	(pc) =	sbr.rel @p1 .LBB1_5-.Ltmp2, $1  }
0x2c: {  	_ =	sdelay $0x3  }
0x2d: {  	s12 =	simm.s32 $0x1  }
0x2e: {  	_ =	swait.ge [sflag:s5], $0x1000;
	s12 =	simm.s32 @!p0 $0x0  }
0x2f: {  	[sflag:s5] =	ssyncset.done $0x0;
	s13 =	sshll.u32 s12, $0xC  }
0x30: {  	[sflag:s5] =	ssyncadd.s32 $0xFFFFF000;
	s16 =	sor.u32 $0x10, s13  }
0x31: {  	s12 =	smul.u32 $0x4080, s12;
	v1 =	vld [tilespmem:s16+$0x0]  }
0x32: {  	s30 =	sand.u32 $0x1, s10;
	v0 =	vld [tilespmem:s16+$0xFFFFFFF0]  }
0x33: {  	s13 =	smul.u32 $0x4080, s30;
	s12 =	sshrl.u32 s12, $0x2  }
0x34: {  	s14 =	sor.u32 $0x2000, s12  }
0x35: {  	s31 =	sshrl.u32 s13, $0x2;
	s13 =	sadd.s32 $0x0, s14  }
0x36: {  	s15 =	simm.s32 $0x4;
	s16 =	sadd.s32 $0x20, s16;
	s12 =	sor.u32 $0x2000, s31;
	[tilespmem:s13+$0x810 ss:$0x81] =	vst.msk $0xffff, v1  }
.LBB1_3:
0x37: {  	v1 =	vld [tilespmem:s16+$0x0];
	p1 =	sne.s32 s15, $0x1FC;
	[tilespmem:s13+$0x0 ss:$0x81] =	vst.msk $0xffff, v0;
	s13 =	smov.u32 s15;
	s15 =	sadd.s32 $0x4, s15  }
.Ltmp3:
0x38: {  	v0 =	vld [tilespmem:s16+$0xFFFFFFF0];
	(pc) =	sbr.rel @p1 .LBB1_3-.Ltmp3, $4  }
0x39: {  	_ = 	snop  }
0x3a: {  	s13 =	sshra.s32 s13, $0x2  }
0x3b: {  	s13 =	sadd.s32 s13, s14  }
0x3c: {  	s16 =	sadd.s32 $0x20, s16;
	[tilespmem:s13+$0x810 ss:$0x81] =	vst.msk $0xffff, v1  }
.Ltmp4:
0x3d: {  	_ = 	snop;
	(pc) =	sbr.rel .LBB1_4-.Ltmp4, $1  }
0x3e: {  	_ =	sdelay $0x3  }
.LBB1_6:
0x3f: {  	_ =	sfence.sel $0x180000  }
0x40: {  	s2 =	simm.s32 $0x1;
	[bflag:$0x0] =	sbarrier.arrive $0xFFFF  }
0x41: {  	s31 =	simm.s32 $0x2;
	[sflag:s2] =	ssyncpa.u1 $0x1  }
0x42: {  	[sflag:s31] =	ssyncpa.u1 $0x1  }
0x43: {  	p0 =	sne.s32 s0, $0x0;
	_ =	strace $0x9000004A  }
0x44: {  	s0 =	sadd.s32 @!p0 $0x100000, s1;
	[bflag:$0x2] =	sbarrier.arrive $0xFFFF  }
0x45: {  	[sflag:s0] =	ssyncadd.tile.s32 @!p0 $0x1;
	_ =	shalt  }
.Lfunc_end1:
_tile_overlayer_lowered:
.L_overlay_start_2:
0x46: {  	(tag) =	ssettag $0x2  }
0x47: {  	s0 =	rddreg [dreg:$0x0];
	s2 =	stileid.u32  }
0x48: {  	s1 =	rddreg [dreg:$0x1];
	p0 =	sne.s32 s2, $0x0  }
0x49: {  	s3 =	rddreg [dreg:$0x2];
	[bflag:$0x3] =	sbarrier.arrive $0xFFFF;
	s2 =	simm.s32 @!p0 $0x1C01  }
0x4a: {  	[timem:s3], [sflag:s2] =	dma.local @!p0 [hbm:s0], s1  }
0x4b: {  	s0 =	simm.s32 @!p0 $0x1  }
0x4c: {  	_ =	swait.ge @!p0 [sflag:s0], s1  }
0x4d: {  	s1 =	ssub.s32 @!p0 $0x0, s1;
	[sflag:s0] =	ssyncset.done @!p0 $0x0  }
0x4e: {  	[sflag:s0] =	ssyncadd.s32 @!p0 s1  }
0x4f: {  	[bflag:$0x3] =	sbarrier.arrive $0xFFFF  }
0x50: {  	_ =	shalt  }

// kernel: sparse-core-data-format-call.cloned.1.call-start
scs
called_computation_lowered:
.L_overlay_start_0:
0x0: {  	s2 =	sld [smem:$0x3FD9]  }
0x1: {  	s3 =	sld [smem:$0x3FFE];
	_ =	sdelay $0x1  }
0x2: {  	s1 =	srdreg.scid  }
0x3: {  	s0 =	sand.u32 $0x1, s1  }
0x4: {  	s18 =	sshll.u32 s0, $0xA;
	s2 =	sadd.s32 s3, s2  }
0x5: {  	s2 =	sadd.s32 s2, s18  }
0x6: {  	[smem:$0x3FC6] =	sst s2  }
0x7: {  	_ = 	snop  }
0x8: {  	s2 =	sld [smem:$0x3FD0];
	(tm) =	ssettm $0x1  }
0x9: {  	s19 =	sld [smem:$0x3FFB];
	_ =	sdelay $0x3  }
0xa: {  	_ =	strace s19  }
0xb: {  	s3 =	sld [smem:$0x3FFC];
	_ =	sdelay $0x3  }
0xc: {  	_ =	strace s3  }
0xd: {  	s3 =	sld [smem:$0x3FFD];
	_ =	sdelay $0x3  }
0xe: {  	_ =	strace s3  }
0xf: {  	_ =	strace $0x8FFFFFFF  }
0x10: {  	s20 =	sld [smem:$0x3FDB];
	_ =	sdelay $0x1  }
0x11: {  	s4 =	simm.s32 $_scs_section_size  }
0x12: {  	s5 =	simm.s32 $_size__tile_overlayer_lowered;
	s6 =	simm.s32 $_tile_overlayer_lowered  }
0x13: {  	s23 =	simm.s32 $0x1BFF;
	s22 =	sshll.u32 s6, $0x1;
	s3 =	sadd.s32 s4, s20  }
0x14: {  	s7 =	simm.s32 $0x0;
	s21 =	sshll.u32 s5, $0x1;
	s5 =	sadd.s32 s22, s3  }
0x15: {  	[timem:s7], [sflag:s23] =	dma.local [hbm:s5], s21  }
0x16: {  	_ =	swait.ge [sflag:s23], s21  }
0x17: {  	s4 =	ssub.s32 $0x0, s21;
	[sflag:s23] =	ssyncset.done $0x0  }
0x18: {  	[sflag:s23] =	ssyncadd.s32 s4;
	_ =	sdelay $0x1  }
0x19: {  	s24 =	simm.s32 $0x1B8B  }
0x1a: {  	_ =	swait.ge [sflag:s24], $0x1  }
0x1b: {  	[sflag:s24] =	ssyncset.done $0x0  }
0x1c: {  	s26 =	simm.s32 $0x1B8E;
	s25 =	sld [smem:$0x3FFE];
	[sflag:s24] =	ssyncadd.s32 $0xFFFFFFFF  }
0x1d: {  	s27 =	simm.s32 $execute0_lowered;
	[smem:$0x3FD2] =	sst s26  }
0x1e: {  	s5 =	sshll.u32 s27, $0x1;
	_ =	strace $0x8000004C;
	[dreg:$0x1] =	wrdreg $0xFFFFFFFF  }
0x1f: {  	s28 =	simm.s32 $_size_execute0_lowered;
	s3 =	sadd.s32 s3, s5;
	[dreg:$0x0] =	wrdreg $0x0  }
0x20: {  	s5 =	sshll.u32 s28, $0x1;
	[dreg:$0x2] =	wrdreg s3  }
0x21: {  	[dreg:$0x3] =	wrdreg s5  }
0x22: {  	[dreg:$0x4] =	wrdreg $0xC0  }
0x23: {  	_ =	task [dreg:s7], $0x5FFFF  }
0x24: {  	[dreg:$0x1] =	wrdreg $0xFFFFFFFF  }
0x25: {  	[dreg:$0x0] =	wrdreg $0x60  }
0x26: {  	[dreg:$0x2] =	wrdreg s25  }
0x27: {  	[dreg:$0x3] =	wrdreg s2  }
0x28: {  	[dreg:$0x4] =	wrdreg $0x9  }
0x29: {  	_ =	task.clear_ibuf [dreg:s7], $0x5FFFF;
	_ =	strace $0x9000004C  }
0x2a: {  	s29 =	simm.s32 $0x9;
	_ =	strace $0x8000004E  }
0x2b: {  	_ =	swait.ge [sflag:s29], $0x1  }
0x2c: {  	[sflag:s29] =	ssyncadd.s32 $0xFFFFFFFF  }
0x2d: {  	_ =	strace $0x9000004E  }
0x2e: {  	_ =	sfence  }
0x2f: {  	s30 =	sld [smem:$0x0];
	_ =	sdelay $0x2  }
0x30: {  	s31 =	sshll.u32 s1, $0xD;
	s1 =	sshrl.u32 s1, $0x2  }
0x31: {  	s3 =	sand.u32 $0x4000, s31;
	s1 =	sadd.s32 s1, s30  }
0x32: {  	s0 =	sor.u32 s3, s0;
	s1 =	sshll.u32 s1, $0x11  }
0x33: {  	s0 =	sor.u32 s1, s0  }
0x34: {  	s0 =	sadd.s32 $0x8F2B, s0  }
0x35: {  	[sflag:s0] =	ssyncadd.remote.s32 $0x1  }
0x36: {  	_ =	sfence.sel $0xFFFF  }
0x37: {  	[dreg:$0x0] =	wrdreg $0xFFFFFFFF;
	(pc) =	sbr.abs _section_cstart, $3  }
0x38: {  	[dreg:$0x1] =	wrdreg $0xFFFFFFFF  }
0x39: {  	_ =	task.clear_ibuf [dreg:s7], $0x2FFFF;
	_ =	strace $0x9FFFFFFF  }
0x3a: {  	(tm) =	ssettm $0x7FFFFFFF  }
0x3b: {  	_ =	shalt  }
tec
execute0_lowered:
.L_overlay_start_1:
0x0: {  	(tag) =	ssettag $0x1  }
0x1: {  	s8 =	rddreg [dreg:$0x0]  }
0x2: {  	s2 =	rddreg [dreg:$0x1];
	s1 =	stileid.u32  }
0x3: {  	s4 =	srdreg.scid;
	s0 =	rddreg [dreg:$0x2];
	_ =	strace $0x8000004D  }
0x4: {  	s9 =	simm.s32 $0x1;
	s31 =	simm.s32 $0x2;
	s16 =	simm.s32 $0x0  }
0x5: {  	s17 =	simm.s32 $0x0;
	s11 =	simm.s32 $0x0;
	s12 =	simm.s32 $0x0  }
0x6: {  	s15 =	simm.s32 $0x0;
	s3 =	sshll.u32 s1, $0x1;
	s4 =	sshll.u32 s4, $0x7  }
0x7: {  	s4 =	sand.u32 $0x80, s4;
	s5 =	ssub.s32 $0x20, s3;
	s14 =	smov.u32 s3  }
0x8: {  	s6 =	sshrl.u32 s5, $0x5;
	s5 =	sand.u32 $0x1E, s5;
	s7 =	ssub.s32 $0x4000, s4  }
0x9: {  	p0 =	sne.s32 s5, $0x0;
	s30 =	sshrl.u32 s7, $0x7;
	s7 =	sshrl.u32 s7, $0x8  }
.Ltmp0:
0xa: {  	s9 =	simm.s32 @!p0 $0x0;
	s10 =	sand.u32 $0x1, s30;
	(pc) =	sbr.rel .LBB1_1-.Ltmp0, $4  }
0xb: {  	s5 =	simm.s32 $0x1;
	s6 =	sadd.s32 s9, s6;
	s7 =	sadd.s32 s7, s10  }
0xc: {  	s13 =	smov.u32 s4;
	[sflag:s5] =	ssyncpa.u1 $0x0;
	s6 =	smul.u32 s6, s7  }
0xd: {  	p0 =	por $0x0, $0x0;
	[sflag:s31] =	ssyncpa.u1 $0x0;
	s10 =	simm.s32 $0x80000  }
0xe: {  	s7 =	sadd.s32 $0xE00, s8;
	s8 =	sadd.s32 $0x40E00, s8;
	s9 =	sadd.s32 $0x1, s6  }
.LBB1_7:
0xf: {  	p1 =	slt.u32 s15, $0x2  }
0x10: {  	s19 =	smov.u32 s17;
	p2 =	sgt.s32 @!p1 s17, $0x1E;
	s18 =	sshra.s32 @!p1 s17, $0x1F  }
0x11: {  	p3 =	sgt.s32 @!p1 s16, $0x3F80;
	s20 =	sshra.s32 @!p1 s16, $0x1F;
	p2 =	por !p2, p1  }
0x12: {  	s17 =	sand.u32 @!p1 s18, s17;
	p3 =	por !p3, p1;
	s18 =	smov.u32 s16  }
0x13: {  	s16 =	sand.u32 @!p1 s20, s16;
	s19 =	simm.s32 @p2 $0x1E;
	s18 =	simm.s32 @p3 $0x3F80  }
0x14: {  	s20 =	smov.u32 s14;
	s17 =	ssub.s32 @!p1 s19, s17;
	s16 =	ssub.s32 @!p1 s18, s16  }
0x15: {  	s18 =	sadd.s32 @!p1 $0xFFFFFFE2, s17;
	s17 =	ssub.s32 @!p1 $0x20, s17;
	s19 =	sadd.s32 @!p1 $0xFFFFC080, s16  }
0x16: {  	p2 =	sgt.s32 @!p1 s18, $0x1;
	s17 =	smul.u32 @!p1 $0x32, s17;
	p3 =	sgt.s32 @!p1 s19, $0x7F  }
0x17: {  	s16 =	ssub.s32 @!p1 $0x4000, s16;
	p2 =	por !p2, p1;
	p3 =	por !p3, p1  }
0x18: {  	s18 =	sadd.s32 $0x100, s13;
	s17 =	simm.s32 @!p2 $0x0;
	s16 =	simm.s32 @!p3 $0x0  }
0x19: {  	p2 =	sgt.s32 s18, $0x3FFF;
	s16 =	smul.u32 @!p1 s16, s17;
	s17 =	sadd.s32 $0x20, s14  }
0x1a: {  	s20 =	smov.u32 @p2 s17  }
0x1b: {  	s18 =	smov.u32 @p2 s4;
	p2 =	sgt.s32 s20, $0x1F  }
0x1c: {  	s20 =	smov.u32 @p2 s3;
	p2 =	sne.s32 s15, s9  }
.Ltmp1:
0x1d: {  	p0 =	por !p0, !p0;
	s19 =	simm.s32 @!p1 $0x2;
	(pc) =	sbr.rel @!p2 .LBB1_8-.Ltmp1, $4  }
0x1e: {  	s17 =	smov.u32 s12;
	s12 =	smov.u32 s14;
	s16 =	sand.u32 @!p1 $0x3FFFFFFE, s16  }
0x1f: {  	_ =	swait.ge @!p1 [sflag:s19], s16;
	s21 =	ssub.s32 @!p1 $0x0, s16;
	s16 =	smov.u32 s11  }
0x20: {  	s15 =	sadd.s32 $0x1, s15;
	s11 =	smov.u32 s13;
	[sflag:s19] =	ssyncset.done @!p1 $0x0  }
0x21: {  	s13 =	smov.u32 s18;
	s14 =	smov.u32 s20;
	[sflag:s19] =	ssyncadd.s32 @!p1 s21  }
.LBB1_1:
0x22: {  	p1 =	sge.u32 s15, s6  }
0x23: {  	s18 =	sxor.u32 @!p1 $0xFFFFFFFF, s15;
	s19 =	sshll.u32 @!p1 s14, $0x12  }
0x24: {  	s20 =	sshll.u32 @!p1 s13, $0x4;
	s22 =	simm.s32 @!p1 $0x40;
	s23 =	simm.s32 @!p1 $0x80  }
0x25: {  	s18 =	sshll.u32 @!p1 s18, $0xE;
	s20 =	sand.u32 @!p1 $0x3FFF0, s20;
	s21 =	sadd.s32 @!p1 s7, s19  }
0x26: {  	s19 =	sadd.s32 @!p1 s19, s8;
	s18 =	sand.u32 @!p1 $0x4000, s18;
	s21 =	sadd.s32 @!p1 s20, s21  }
0x27: {  	[tilespmem:s18], [sflag:$0x1] =	stream.strided.gather @!p1 [hbm4b:s21+s22], $0x2000, s23, s22, $0x38;
	[tilespmem:$0x10100] =	vst v63  }
0x28: {  	s31 =	sadd.s32 $0xFFFFFFFF, s15;
	s19 =	sadd.s32 @!p1 s20, s19;
	s18 =	sor.u32 @!p1 $0x2000, s18  }
0x29: {  	[tilespmem:s18], [sflag:$0x1] =	stream.strided.gather @!p1 [hbm4b:s19+s22], $0x2000, s23, s22, $0x38;
	[tilespmem:$0x10100] =	vst v63  }
0x2a: {  	p1 =	sge.u32 s31, s6  }
.Ltmp2:
0x2b: {  	_ = 	snop;
	(pc) =	sbr.rel @p1 .LBB1_7-.Ltmp2, $1  }
0x2c: {  	_ =	sdelay $0x3  }
0x2d: {  	s18 =	simm.s32 $0x1;
	s20 =	sand.u32 $0x1, s15  }
0x2e: {  	_ =	swait.ge [sflag:s5], $0x4000;
	s18 =	simm.s32 @!p0 $0x0;
	s20 =	smul.u32 $0x10200, s20  }
0x2f: {  	p2 =	por $0x1, $0x1;
	[sflag:s5] =	ssyncset.done $0x0;
	s19 =	smul.u32 $0x10200, s18  }
0x30: {  	s21 =	sshll.u32 s18, $0x10;
	[sflag:s5] =	ssyncadd.s32 $0xFFFFC000;
	s30 =	sshrl.u32 s20, $0x2  }
0x31: {  	s31 =	sshrl.u32 s21, $0x2;
	s21 =	simm.s32 $0x0;
	s19 =	sshrl.u32 s19, $0x2  }
0x32: {  	s18 =	sor.u32 $0x8000, s30;
	s20 =	sadd.s32 $0x20, s31;
	s19 =	sor.u32 $0x8000, s19  }
.LBB1_3:
0x33: {  	s22 =	sshll.u32 s21, $0xD  }
0x34: {  	s22 =	sand.u32 $0x3FFFE000, s22  }
0x35: {  	s24 =	sadd.s32 s22, s20  }
0x36: {  	s31 =	smul.u32 $0x204, s21;
	v3 =	vld [tilespmem:s24+$0x10]  }
0x37: {  	v1 =	vld [tilespmem:s24+$0xFFFFFFF0]  }
0x38: {  	s21 =	sshra.s32 s31, $0x2;
	v0 =	vld [tilespmem:s24+$0x0]  }
0x39: {  	s21 =	sadd.s32 s21, s19;
	v2 =	vld [tilespmem:s24+$0xFFFFFFE0]  }
0x3a: {  	s22 =	sadd.s32 $0x0, s21  }
0x3b: {  	p1 =	por p2, p2;
	s23 =	simm.s32 $0x4;
	s24 =	sadd.s32 $0x40, s24;
	[tilespmem:s22+$0x3060 ss:$0x102] =	vst.msk $0xffff, v3  }
.LBB1_4:
0x3c: {  	v3 =	vld [tilespmem:s24+$0x10];
	p2 =	sne.s32 s23, $0x1FC;
	[tilespmem:s22+$0x1020 ss:$0x102] =	vst.msk $0xffff, v1;
	s25 =	smov.u32 s23;
	s23 =	sadd.s32 $0x4, s23  }
.Ltmp3:
0x3d: {  	v1 =	vld [tilespmem:s24+$0xFFFFFFF0];
	[tilespmem:s22+$0x2040 ss:$0x102] =	vst.msk $0xffff, v0;
	(pc) =	sbr.rel @p2 .LBB1_4-.Ltmp3, $4  }
0x3e: {  	v0 =	vld [tilespmem:s24+$0x0];
	[tilespmem:s22+$0x0 ss:$0x102] =	vst.msk $0xffff, v2  }
0x3f: {  	s22 =	sshra.s32 s25, $0x2;
	v2 =	vld [tilespmem:s24+$0xFFFFFFE0]  }
0x40: {  	s22 =	sadd.s32 s22, s21  }
0x41: {  	s24 =	sadd.s32 $0x40, s24;
	[tilespmem:s22+$0x3060 ss:$0x102] =	vst.msk $0xffff, v3  }
.Ltmp4:
0x42: {  	(pc) =	sbr.rel @p1 .LBB1_3-.Ltmp4, $4  }
0x43: {  	_ = 	snop  }
0x44: {  	[tilespmem:s22+$0x1020 ss:$0x102] =	vst.msk $0xffff, v1  }
0x45: {  	[tilespmem:s22+$0x2040 ss:$0x102] =	vst.msk $0xffff, v0  }
0x46: {  	s21 =	simm.s32 $0x1;
	p2 =	por $0x0, $0x0;
	[tilespmem:s22+$0x0 ss:$0x102] =	vst.msk $0xffff, v2  }
0x47: {  	s19 =	sand.u32 $0x78, s11;
	p1 =	sgt.s32 s12, $0x1E;
	s20 =	smov.u32 s12  }
0x48: {  	s21 =	sshra.s32 s12, $0x1F;
	s22 =	sshll.u32 s12, $0xE;
	s23 =	sshll.u32 s11, $0x3  }
0x49: {  	s30 =	sshra.s32 s11, $0x1F;
	s25 =	sshll.u32 s12, $0x7;
	s20 =	simm.s32 @!p1 $0x1E  }
0x4a: {  	s21 =	sand.u32 s21, s12;
	s22 =	sand.u32 $0x60000, s22;
	p1 =	sgt.s32 s11, $0x3F80  }
0x4b: {  	s25 =	sand.u32 $0x380, s25;
	s20 =	ssub.s32 s20, s21;
	s21 =	smov.u32 s11  }
0x4c: {  	s22 =	sadd.s32 s22, s23;
	s24 =	sadd.s32 $0xFFFFFFE2, s20;
	s21 =	simm.s32 @!p1 $0x3F80  }
0x4d: {  	s20 =	ssub.s32 $0x20, s20;
	p1 =	sgt.s32 s24, $0x1;
	s24 =	sand.u32 s30, s11  }
0x4e: {  	s23 =	sand.u32 $0x3C00, s23;
	s20 =	smul.u32 $0x32, s20;
	s21 =	ssub.s32 s21, s24  }
0x4f: {  	s19 =	sor.u32 s25, s19;
	s22 =	sand.u32 $0x7C000, s22;
	s24 =	sadd.s32 $0xFFFFC080, s21  }
0x50: {  	s20 =	simm.s32 @p1 $0x0;
	s21 =	ssub.s32 $0x4000, s21;
	p1 =	sgt.s32 s24, $0x7F  }
.Ltmp5:
0x51: {  	s19 =	sor.u32 s23, s19;
	s21 =	simm.s32 @p1 $0x0;
	(pc) =	sbr.rel .LBB1_7-.Ltmp5, $4  }
0x52: {  	s31 =	sand.u32 $0x7, s11;
	s19 =	sor.u32 s22, s19;
	s20 =	smul.u32 s21, s20  }
0x53: {  	s19 =	sshrl.u32 s19, $0x3;
	s21 =	sshll.u32 s31, $0x12  }
0x54: {  	s19 =	sadd.s32 s2, s19;
	s21 =	sor.u32 $0x100, s21;
	s20 =	sand.u32 $0x3FFFFFFE, s20  }
0x55: {  	[hbm4b:s19+s21] =	stream.strided.scatter [tilespmem:s18], [sflag:$0x2], s20, s10, s21, $0x20;
	[tilespmem:$0x10100] =	vst v63  }
.LBB1_8:
0x56: {  	_ =	sfence.sel $0x180000  }
0x57: {  	s2 =	simm.s32 $0x1;
	[bflag:$0x0] =	sbarrier.arrive $0xFFFF  }
0x58: {  	s31 =	simm.s32 $0x2;
	[sflag:s2] =	ssyncpa.u1 $0x1  }
0x59: {  	[sflag:s31] =	ssyncpa.u1 $0x1  }
0x5a: {  	p0 =	sne.s32 s1, $0x0;
	_ =	strace $0x9000004D  }
0x5b: {  	s0 =	sadd.s32 @!p0 $0x100000, s0;
	[bflag:$0x2] =	sbarrier.arrive $0xFFFF  }
0x5c: {  	[sflag:s0] =	ssyncadd.tile.s32 @!p0 $0x1;
	_ =	shalt  }
.Lfunc_end1:
_tile_overlayer_lowered:
.L_overlay_start_2:
0x5d: {  	(tag) =	ssettag $0x2  }
0x5e: {  	s0 =	rddreg [dreg:$0x0];
	s2 =	stileid.u32  }
0x5f: {  	s1 =	rddreg [dreg:$0x1];
	p0 =	sne.s32 s2, $0x0  }
0x60: {  	s3 =	rddreg [dreg:$0x2];
	[bflag:$0x3] =	sbarrier.arrive $0xFFFF;
	s2 =	simm.s32 @!p0 $0x1C01  }
0x61: {  	[timem:s3], [sflag:s2] =	dma.local @!p0 [hbm:s0], s1  }
0x62: {  	s0 =	simm.s32 @!p0 $0x1  }
0x63: {  	_ =	swait.ge @!p0 [sflag:s0], s1  }
0x64: {  	s1 =	ssub.s32 @!p0 $0x0, s1;
	[sflag:s0] =	ssyncset.done @!p0 $0x0  }
0x65: {  	[sflag:s0] =	ssyncadd.s32 @!p0 s1  }
0x66: {  	[bflag:$0x3] =	sbarrier.arrive $0xFFFF  }
0x67: {  	_ =	shalt  }

</sc_bundles>
